<compile_context>
chip_gen: v7x
topology: tpu7x:2x2x1
jax: 0.10.2.dev20260603
libtpu: 0.0.44.dev20260713+nightly
codegen_flags: <defaults>
</compile_context>

<pallas_src>
import functools

import jax
import jax.numpy as jnp
from jax import lax
from jax.experimental import pallas as pl
from jax.experimental.pallas import tpu as pltpu
from jax.experimental.pallas import tpu_sc as plsc

N = 10000
E = 320000
D = 128
NTS = 5

NC = 2
NS = 16
NW = NC * NS
CH = 128
NCHUNK = 80
EPW = CH * NCHUNK
EPAD = EPW * NW
DUMP = N
NACC = 10240
RPT = NACC // NS
MCH = 2
MPAD = MCH * CH * NW

WIN = 40

RB = 2000


@functools.cache
def _sc_kernels():
    mesh = plsc.VectorSubcoreMesh(
        core_axis_name="c", subcore_axis_name="s", num_cores=NC, num_subcores=NS)

    @functools.partial(
        pl.kernel,
        out_type=jax.ShapeDtypeStruct((NC, NACC, D), jnp.float32),
        mesh=mesh,
        scratch_types=[
            pltpu.VMEM((NCHUNK, CH), jnp.int32),
            pltpu.VMEM((MCH, CH), jnp.int32),
            pltpu.VMEM((CH, D), jnp.float32),
            pltpu.VMEM((CH, D), jnp.float32),
            pltpu.VMEM_SHARED((NACC, D), jnp.float32),
        ],
    )
    def hist(dst_hbm, midx_hbm, ones_hbm, vm_hbm, zrow_hbm,
             tab_out,
             dst_v, midx_v, val_v, zb_v, tab_sp):
        c = lax.axis_index("c")
        s = lax.axis_index("s")
        w = c * NS + s
        pltpu.sync_copy(dst_hbm.at[w], dst_v)
        pltpu.sync_copy(midx_hbm.at[w], midx_v)
        pltpu.sync_copy(zrow_hbm, zb_v)
        base = s * RPT

        def zero_blk(k, carry):
            pltpu.sync_copy(zb_v, tab_sp.at[pl.ds(base + k * CH, CH)])
            return carry

        lax.fori_loop(0, RPT // CH, zero_blk, 0)
        pltpu.sync_copy(ones_hbm, val_v)
        plsc.subcore_barrier()

        def deg_blk(j, carry):
            pltpu.sync_copy(val_v, tab_sp.at[dst_v.at[j]], add=True)
            return carry

        lax.fori_loop(0, NCHUNK, deg_blk, 0)

        def mask_blk(j, carry):
            pltpu.sync_copy(vm_hbm.at[w, j], val_v)
            pltpu.sync_copy(val_v, tab_sp.at[midx_v.at[j]], add=True)
            return carry

        lax.fori_loop(0, MCH, mask_blk, 0)
        plsc.subcore_barrier()
        pltpu.sync_copy(tab_sp.at[pl.ds(base, RPT)],
                        tab_out.at[c, pl.ds(base, RPT)])

    @functools.partial(
        pl.kernel,
        out_type=jax.ShapeDtypeStruct((NC, NACC, D), jnp.float32),
        mesh=mesh,
        scratch_types=[
            pltpu.VMEM((WIN, CH), jnp.int32),
            pltpu.VMEM((WIN, CH), jnp.int32),
            pltpu.VMEM((CH, D), jnp.float32),
            pltpu.VMEM((CH, D), jnp.float32),
            pltpu.VMEM_SHARED((NACC, D), jnp.float32),
            pltpu.SemaphoreType.DMA,
            pltpu.SemaphoreType.DMA,
        ],
    )
    def segsum(tbl_hbm, src_hbm, dst_hbm, zrow_hbm, out_hbm,
               srcw_v, dstw_v, rows0, rows1, acc_sp, sem0, sem1):
        c = lax.axis_index("c")
        s = lax.axis_index("s")
        w = c * NS + s
        pltpu.sync_copy(zrow_hbm, rows0)
        base = s * RPT

        def zero_blk(k, carry):
            pltpu.sync_copy(rows0, acc_sp.at[pl.ds(base + k * CH, CH)])
            return carry

        lax.fori_loop(0, RPT // CH, zero_blk, 0)
        plsc.subcore_barrier()

        def window(win, carry):
            pltpu.sync_copy(src_hbm.at[w, pl.ds(win * WIN, WIN)], srcw_v)
            pltpu.sync_copy(dst_hbm.at[w, pl.ds(win * WIN, WIN)], dstw_v)
            pltpu.async_copy(tbl_hbm.at[srcw_v.at[0]], rows0, sem0)
            pltpu.async_copy(tbl_hbm.at[srcw_v.at[1]], rows1, sem1)

            def pair(jj, c2):
                a = 2 * jj
                b = a + 1
                pltpu.make_async_copy(
                    tbl_hbm.at[srcw_v.at[a]], rows0, sem0).wait()
                pltpu.sync_copy(rows0, acc_sp.at[dstw_v.at[a]], add=True)

                @pl.when(a + 2 < WIN)
                def _():
                    pltpu.async_copy(tbl_hbm.at[srcw_v.at[a + 2]], rows0, sem0)

                pltpu.make_async_copy(
                    tbl_hbm.at[srcw_v.at[b]], rows1, sem1).wait()
                pltpu.sync_copy(rows1, acc_sp.at[dstw_v.at[b]], add=True)

                @pl.when(b + 2 < WIN)
                def _():
                    pltpu.async_copy(tbl_hbm.at[srcw_v.at[b + 2]], rows1, sem1)

                return c2

            lax.fori_loop(0, WIN // 2, pair, 0)
            return carry

        lax.fori_loop(0, NCHUNK // WIN, window, 0)
        plsc.subcore_barrier()
        pltpu.sync_copy(acc_sp.at[pl.ds(base, RPT)],
                        out_hbm.at[c, pl.ds(base, RPT)])

    return hist, segsum


def _dinv_of(deg_ref):
    deg = deg_ref[0, :, 0:1] + deg_ref[1, :, 0:1] + 1.0
    return lax.rsqrt(deg)


def _h1raw_body(x_ref, w1_ref, out_ref):
    out_ref[:] = jnp.dot(x_ref[:], w1_ref[:],
                         preferred_element_type=jnp.float32)


def _scale_body(h_ref, deg_ref, out_ref, cnt_ref):
    dinv = _dinv_of(deg_ref)
    out_ref[:] = h_ref[:] * dinv
    lane = jnp.arange(8)
    c0 = deg_ref[0, :, 1:2] + deg_ref[1, :, 1:2]
    c1 = deg_ref[0, :, 2:3] + deg_ref[1, :, 2:3]
    cnt_ref[:] = dinv * (lane == 0) + c0 * (lane == 1) + c1 * (lane == 2)


def _mid_body(acc_ref, h1_ref, cnt_ref, b1_ref, w2_ref, out_ref):
    dinv = cnt_ref[:, 0:1]
    zsum = acc_ref[0] + acc_ref[1] + h1_ref[:]
    z = jnp.maximum(dinv * zsum + b1_ref[:], 0.0)
    h2 = jnp.dot(z, w2_ref[:], preferred_element_type=jnp.float32)
    out_ref[:] = h2 * dinv


def _loss_body(acc_ref, h2_ref, cnt_ref, tst_ref,
               b2_ref, wt1_ref, bt1_ref, wt2_ref, bt2_ref,
               wc1_ref, bc1_ref, wc2_ref, bc2_ref,
               cls_ref, ts_ref):
    i = pl.program_id(0)
    dinv = cnt_ref[:, 0:1]
    zsum = acc_ref[0] + acc_ref[1] + h2_ref[:]
    z2 = dinv * zsum + b2_ref[:]

    col = lax.broadcasted_iota(jnp.int32, (1, D), 1)
    neg = jnp.float32(-1e30)

    t1 = jnp.maximum(
        jnp.dot(z2, wt1_ref[:], preferred_element_type=jnp.float32)
        + bt1_ref[:], 0.0)
    tl = jnp.dot(t1, wt2_ref[:], preferred_element_type=jnp.float32) + bt2_ref[:]
    tlm = jnp.where(col < NTS, tl, neg)
    m = jnp.max(tlm, axis=1, keepdims=True)
    se = jnp.sum(jnp.exp(tlm - m), axis=1, keepdims=True)
    lse = m + jnp.log(se)
    picked = jnp.sum(jnp.where(col == tst_ref[:], tl, 0.0), axis=1,
                     keepdims=True)
    ts_part = jnp.sum(lse - picked) * (1.0 / N)

    c1h = jnp.maximum(
        jnp.dot(z2, wc1_ref[:], preferred_element_type=jnp.float32)
        + bc1_ref[:], 0.0)
    cl = jnp.dot(c1h, wc2_ref[:], preferred_element_type=jnp.float32) + bc2_ref[:]
    clm = jnp.where(col < 2, cl, neg)
    m2 = jnp.max(clm, axis=1, keepdims=True)
    se2 = jnp.sum(jnp.exp(clm - m2), axis=1, keepdims=True)
    lse2 = m2 + jnp.log(se2)
    c0 = cnt_ref[:, 1:2]
    c1 = cnt_ref[:, 2:3]
    cls_part = jnp.sum((c0 + c1) * lse2 - c0 * cl[:, 0:1]
                       - c1 * cl[:, 1:2]) * (1.0 / 5000.0)

    @pl.when(i == 0)
    def _():
        cls_ref[:, :] = jnp.zeros((1, 1), jnp.float32)
        ts_ref[:, :] = jnp.zeros((1, 1), jnp.float32)

    cls_ref[:, :] += cls_part.reshape(1, 1)
    ts_ref[:, :] += ts_part.reshape(1, 1)


_h1raw_call = pl.pallas_call(
    _h1raw_body,
    grid=(N // RB,),
    in_specs=[
        pl.BlockSpec((RB, D), lambda i: (i, 0)),
        pl.BlockSpec((D, D), lambda i: (0, 0)),
    ],
    out_specs=pl.BlockSpec((RB, D), lambda i: (i, 0)),
    out_shape=jax.ShapeDtypeStruct((N, D), jnp.float32),
)

_scale_call = pl.pallas_call(
    _scale_body,
    grid=(N // RB,),
    in_specs=[
        pl.BlockSpec((RB, D), lambda i: (i, 0)),
        pl.BlockSpec((NC, RB, D), lambda i: (0, i, 0)),
    ],
    out_specs=[
        pl.BlockSpec((RB, D), lambda i: (i, 0)),
        pl.BlockSpec((RB, 8), lambda i: (i, 0)),
    ],
    out_shape=[
        jax.ShapeDtypeStruct((N, D), jnp.float32),
        jax.ShapeDtypeStruct((N, 8), jnp.float32),
    ],
)

_mid_call = pl.pallas_call(
    _mid_body,
    grid=(N // RB,),
    in_specs=[
        pl.BlockSpec((NC, RB, D), lambda i: (0, i, 0)),
        pl.BlockSpec((RB, D), lambda i: (i, 0)),
        pl.BlockSpec((RB, 8), lambda i: (i, 0)),
        pl.BlockSpec((1, D), lambda i: (0, 0)),
        pl.BlockSpec((D, D), lambda i: (0, 0)),
    ],
    out_specs=pl.BlockSpec((RB, D), lambda i: (i, 0)),
    out_shape=jax.ShapeDtypeStruct((N, D), jnp.float32),
)

_loss_call = pl.pallas_call(
    _loss_body,
    grid=(N // RB,),
    in_specs=[
        pl.BlockSpec((NC, RB, D), lambda i: (0, i, 0)),
        pl.BlockSpec((RB, D), lambda i: (i, 0)),
        pl.BlockSpec((RB, 8), lambda i: (i, 0)),
        pl.BlockSpec((RB, 1), lambda i: (i, 0)),
        pl.BlockSpec((1, D), lambda i: (0, 0)),
        pl.BlockSpec((D, D), lambda i: (0, 0)),
        pl.BlockSpec((1, D), lambda i: (0, 0)),
        pl.BlockSpec((D, D), lambda i: (0, 0)),
        pl.BlockSpec((1, D), lambda i: (0, 0)),
        pl.BlockSpec((D, D), lambda i: (0, 0)),
        pl.BlockSpec((1, D), lambda i: (0, 0)),
        pl.BlockSpec((D, D), lambda i: (0, 0)),
        pl.BlockSpec((1, D), lambda i: (0, 0)),
    ],
    out_specs=[
        pl.BlockSpec((1, 1), lambda i: (0, 0)),
        pl.BlockSpec((1, 1), lambda i: (0, 0)),
    ],
    out_shape=[
        jax.ShapeDtypeStruct((1, 1), jnp.float32),
        jax.ShapeDtypeStruct((1, 1), jnp.float32),
    ],
)


def kernel(x, edge_index, ts_target, node_target, node_mask,
           W1, b1, W2, b2, Wt1, bt1, Wt2, bt2, Wc1, bc1, Wc2, bc2):
    f32 = jnp.float32
    i32 = jnp.int32
    hist, segsum = _sc_kernels()

    src = edge_index[0]
    dst = edge_index[1]
    epad = EPAD - E
    pad_ar = jnp.arange(epad, dtype=i32)
    src_pad = (pad_ar * 41) % N
    dst_pad = DUMP + (pad_ar % (NACC - N))
    srcp = jnp.concatenate([src, src_pad]).reshape(NW, NCHUNK, CH)
    dstp = jnp.concatenate([dst, dst_pad]).reshape(NW, NCHUNK, CH)

    mpad = MPAD - node_mask.shape[0]
    mpad_ar = jnp.arange(mpad, dtype=i32)
    midx = jnp.concatenate(
        [node_mask, DUMP + (mpad_ar % (NACC - N))]).reshape(NW, MCH, CH)
    lanes = jnp.arange(D, dtype=i32)
    lane0 = (lanes == 0).astype(f32)
    lane1 = (lanes == 1).astype(f32)
    lane2 = (lanes == 2).astype(f32)
    v0 = jnp.concatenate([(node_target == 0).astype(f32),
                          jnp.zeros((mpad,), f32)])
    v1 = jnp.concatenate([(node_target == 1).astype(f32),
                          jnp.zeros((mpad,), f32)])
    vmr = (v0[:, None] * lane1 + v1[:, None] * lane2).reshape(NW, MCH, CH, D)
    ones_rows = jnp.broadcast_to(lane0, (CH, D))
    zrow = jnp.zeros((CH, D), f32)

    h1raw = _h1raw_call(x, W1)
    deg_t = hist(dstp, midx, ones_rows, vmr, zrow)
    h1, cnt = _scale_call(h1raw, deg_t)
    acc1 = segsum(h1, srcp, dstp, zrow)
    h2 = _mid_call(acc1, h1, cnt, b1.reshape(1, D), W2)
    acc2 = segsum(h2, srcp, dstp, zrow)

    wt2p = jnp.zeros((D, D), f32).at[:, :NTS].set(Wt2)
    bt2p = jnp.zeros((1, D), f32).at[0, :NTS].set(bt2)
    wc2p = jnp.zeros((D, D), f32).at[:, :2].set(Wc2)
    bc2p = jnp.zeros((1, D), f32).at[0, :2].set(bc2)

    cls_a, ts_a = _loss_call(
        acc2, h2, cnt, ts_target.reshape(N, 1),
        b2.reshape(1, D), Wt1, bt1.reshape(1, D), wt2p, bt2p,
        Wc1, bc1.reshape(1, D), wc2p, bc2p,
    )
    return (cls_a[0, 0], ts_a[0, 0])

# --- scband reference (transcript-rebuilt; emitter-appended) ---
"""Pipeline reference for scband-ada-gnn-67138928771823 (READ-ONLY COPY).

The authoritative reference and input builder live on the scoring server;
editing this copy changes nothing except your own understanding.
"""

import jax, jax.numpy as jnp
import numpy as np

N = 10000
E = 320000
IN_DIM = 128
HID = 128
TS_OUT = 5
LAMB = 1.0
N_MASK = 5000

@jax.custom_vjp
def reverse_grad(x):
    return x

def _rg_fwd(x):
    return x, None

def _rg_bwd(res, g):
    return (-g,)

reverse_grad.defvjp(_rg_fwd, _rg_bwd)

def gcn_conv(x, src, dst, W, b):
    n = x.shape[0]
    loop = jnp.arange(n, dtype=src.dtype)
    s = jnp.concatenate([src, loop])
    d = jnp.concatenate([dst, loop])
    deg = jnp.zeros((n,), dtype=x.dtype).at[d].add(1.0)
    dinv = jnp.where(deg > 0, jax.lax.rsqrt(jnp.maximum(deg, 1e-12)), 0.0)
    norm = dinv[s] * dinv[d]
    h = x @ W
    msg = h[s] * norm[:, None]
    out = jnp.zeros((n, W.shape[1]), dtype=x.dtype).at[d].add(msg)
    return out + b

def cross_entropy(logits, target):
    logp = jax.nn.log_softmax(logits, axis=-1)
    nll = -jnp.take_along_axis(logp, target[:, None], axis=1)[:, 0]
    return jnp.mean(nll)

def setup_inputs(seed: int = 0):
    key = jax.random.key(seed)
    ks = jax.random.split(key, 18)
    s = 0.05
    inp = {}
    inp['x'] = jax.random.normal(ks[0], (N, IN_DIM), dtype=jnp.float32)
    inp['edge_index'] = jax.random.randint(ks[1], (2, E), 0, N, dtype=jnp.int32)
    inp['ts_target'] = jax.random.randint(ks[2], (N,), 0, TS_OUT, dtype=jnp.int32)
    inp['node_mask'] = jax.random.randint(ks[3], (N_MASK,), 0, N, dtype=jnp.int32)
    inp['node_target'] = jax.random.randint(ks[4], (N_MASK,), 0, 2, dtype=jnp.int32)
    inp['W1'] = jax.random.normal(ks[5], (IN_DIM, HID), dtype=jnp.float32) * s
    inp['b1'] = jnp.zeros((HID,), jnp.float32)
    inp['W2'] = jax.random.normal(ks[6], (HID, HID), dtype=jnp.float32) * s
    inp['b2'] = jnp.zeros((HID,), jnp.float32)
    inp['Wt1'] = jax.random.normal(ks[7], (HID, HID), dtype=jnp.float32) * s
    inp['bt1'] = jnp.zeros((HID,), jnp.float32)
    inp['Wt2'] = jax.random.normal(ks[8], (HID, TS_OUT), dtype=jnp.float32) * s
    inp['bt2'] = jnp.zeros((TS_OUT,), jnp.float32)
    inp['Wc1'] = jax.random.normal(ks[9], (HID, HID), dtype=jnp.float32) * s
    inp['bc1'] = jnp.zeros((HID,), jnp.float32)
    inp['Wc2'] = jax.random.normal(ks[10], (HID, 2), dtype=jnp.float32) * s
    inp['bc2'] = jnp.zeros((2,), jnp.float32)
    return inp

def reference(x, edge_index, ts_target, node_target, node_mask, W1, b1, W2, b2, Wt1, bt1, Wt2, bt2, Wc1, bc1, Wc2, bc2):
    src = edge_index[0]
    dst = edge_index[1]
    z = jax.nn.relu(gcn_conv(x, src, dst, W1, b1))
    z = gcn_conv(z, src, dst, W2, b2)
    zr = reverse_grad(z)
    ts = jax.nn.relu(zr @ Wt1 + bt1) @ Wt2 + bt2
    preds = jax.nn.relu(z @ Wc1 + bc1) @ Wc2 + bc2
    ts_loss = cross_entropy(ts, ts_target)
    cls_loss = cross_entropy(preds[node_mask], node_target)
    return (cls_loss, LAMB * ts_loss)

if __name__ == "__main__":
    import jax
    _d = setup_inputs()
    print(jax.jit(kernel)(*tuple(_d.values())))

</pallas_src>

<mosaic_0001>
#map = affine_map<(d0, d1) -> (0, 0)>
#map1 = affine_map<(d0, d1) -> (0, 0, 0)>
module attributes {stable_mosaic.version = 14 : i64} {
  func.func @segsum(%arg0: i32, %arg1: i32, %arg2: memref<10000x128xf32, #tpu.memory_space<hbm>>, %arg3: memref<32x80x128xi32, #tpu.memory_space<hbm>>, %arg4: memref<32x80x128xi32, #tpu.memory_space<hbm>>, %arg5: memref<128x128xf32, #tpu.memory_space<hbm>>, %arg6: memref<2x10240x128xf32, #tpu.memory_space<hbm>>, %arg7: memref<40x128xi32, #tpu.memory_space<vmem>>, %arg8: memref<40x128xi32, #tpu.memory_space<vmem>>, %arg9: memref<128x128xf32, #tpu.memory_space<vmem>>, %arg10: memref<128x128xf32, #tpu.memory_space<vmem>>, %arg11: memref<10240x128xf32, #tpu.memory_space<vmem_shared>>, %arg12: memref<!tpu.dma_semaphore, #tpu.memory_space<semaphore_mem>>, %arg13: memref<!tpu.dma_semaphore, #tpu.memory_space<semaphore_mem>>) attributes {dimension_semantics = [#tpu.dimension_semantics<core_parallel>, #tpu.dimension_semantics<subcore_parallel>], iteration_bounds = array<i64: 2, 16>, scalar_prefetch = 0 : i64, scratch_operands = 7 : i64, tpu.core_type = #tpu.core_type<sc_vector_subcore>, window_params = [{transform_indices = #map}, {transform_indices = #map1}, {transform_indices = #map1}, {transform_indices = #map}, {transform_indices = #map1}]} {
    %mul3A = arith.constant 16 : i32
    %mul3A_0 = arith.muli %arg0, %mul3A : i32
    %add3A = arith.addi %mul3A_0, %arg1 : i32
    "tpu.region"() ({
      %run_scoped3A = tpu.sem_alloc : memref<!tpu.dma_semaphore, #tpu.memory_space<semaphore_mem>>
      tpu.enqueue_dma source(%arg5 : memref<128x128xf32, #tpu.memory_space<hbm>>) target(%arg9 : memref<128x128xf32, #tpu.memory_space<vmem>>) target_semaphore(%run_scoped3A : memref<!tpu.dma_semaphore, #tpu.memory_space<semaphore_mem>>)
      tpu.wait_dma2 semaphore(%run_scoped3A : memref<!tpu.dma_semaphore, #tpu.memory_space<semaphore_mem>>) src(%arg5 : memref<128x128xf32, #tpu.memory_space<hbm>>) dst(%arg9 : memref<128x128xf32, #tpu.memory_space<vmem>>)
      tpu.yield
    }) : () -> ()
    %mul3A_1 = arith.constant 640 : i32
    %mul3A_2 = arith.muli %arg1, %mul3A_1 : i32
    %scan3A = arith.constant 0 : i32
    %scan3A_3 = arith.constant 0 : i32
    %scan3A_4 = arith.constant 5 : i32
    %scan3A_5 = arith.addi %scan3A_3, %scan3A_4 : i32
    %scan3A_6 = arith.constant 1 : i32
    scf.for %scan3A_15 = %scan3A_3 to %scan3A_5 step %scan3A_6  : i32 {
      %mul3A_16 = arith.constant 128 : i32
      %mul3A_17 = arith.muli %scan3A_15, %mul3A_16 : i32
      %add3A_18 = arith.addi %mul3A_2, %mul3A_17 : i32
      "tpu.region"() ({
        %run_scoped3A = tpu.sem_alloc : memref<!tpu.dma_semaphore, #tpu.memory_space<semaphore_mem>>
        %dma_start3A = arith.constant 0 : i32
        %dma_start3A_19 = tpu.memref_slice %arg11[%add3A_18, %dma_start3A] : memref<10240x128xf32, #tpu.memory_space<vmem_shared>> -> memref<128x128xf32, #tpu.memory_space<vmem_shared>>
        %dma_start3A_20 = arith.constant 0 : i32
        %dma_start3A_21 = tpu.memref_slice %arg11[%add3A_18, %dma_start3A_20] : memref<10240x128xf32, #tpu.memory_space<vmem_shared>> -> memref<128x128xf32, #tpu.memory_space<vmem_shared>>
        tpu.enqueue_dma source(%arg9 : memref<128x128xf32, #tpu.memory_space<vmem>>) target(%dma_start3A_21 : memref<128x128xf32, #tpu.memory_space<vmem_shared>>) target_semaphore(%run_scoped3A : memref<!tpu.dma_semaphore, #tpu.memory_space<semaphore_mem>>)
        %dma_wait3A = arith.constant 0 : i32
        %dma_wait3A_22 = tpu.memref_slice %arg11[%add3A_18, %dma_wait3A] : memref<10240x128xf32, #tpu.memory_space<vmem_shared>> -> memref<128x128xf32, #tpu.memory_space<vmem_shared>>
        %dma_wait3A_23 = arith.constant 0 : i32
        %dma_wait3A_24 = tpu.memref_slice %arg11[%add3A_18, %dma_wait3A_23] : memref<10240x128xf32, #tpu.memory_space<vmem_shared>> -> memref<128x128xf32, #tpu.memory_space<vmem_shared>>
        tpu.wait_dma2 semaphore(%run_scoped3A : memref<!tpu.dma_semaphore, #tpu.memory_space<semaphore_mem>>) src(%arg9 : memref<128x128xf32, #tpu.memory_space<vmem>>) dst(%dma_wait3A_24 : memref<128x128xf32, #tpu.memory_space<vmem_shared>>)
        tpu.yield
      }) : () -> ()
    }
    %scan3A_7 = arith.constant 5 : i32
    %barrier3A = arith.constant 0 : index
    tpu.barrier barrier_id(%barrier3A)
    %scan3A_8 = arith.constant 0 : i32
    %scan3A_9 = arith.constant 0 : i32
    %scan3A_10 = arith.constant 2 : i32
    %scan3A_11 = arith.addi %scan3A_9, %scan3A_10 : i32
    %scan3A_12 = arith.constant 1 : i32
    scf.for %scan3A_15 = %scan3A_9 to %scan3A_11 step %scan3A_12  : i32 {
      %mul3A_16 = arith.constant 40 : i32
      %mul3A_17 = arith.muli %scan3A_15, %mul3A_16 : i32
      "tpu.region"() ({
        %run_scoped3A = tpu.sem_alloc : memref<!tpu.dma_semaphore, #tpu.memory_space<semaphore_mem>>
        %dma_start3A_39 = arith.constant 0 : i32
        %dma_start3A_40 = tpu.memref_slice %arg3[%add3A, %mul3A_17, %dma_start3A_39] : memref<32x80x128xi32, #tpu.memory_space<hbm>> -> memref<1x40x128xi32, #tpu.memory_space<hbm>>
        %dma_start3A_41 = tpu.memref_squeeze %dma_start3A_40 : memref<1x40x128xi32, #tpu.memory_space<hbm>> -> memref<40x128xi32, #tpu.memory_space<hbm>>
        %dma_start3A_42 = arith.constant 0 : i32
        %dma_start3A_43 = tpu.memref_slice %arg3[%add3A, %mul3A_17, %dma_start3A_42] : memref<32x80x128xi32, #tpu.memory_space<hbm>> -> memref<1x40x128xi32, #tpu.memory_space<hbm>>
        %dma_start3A_44 = tpu.memref_squeeze %dma_start3A_43 : memref<1x40x128xi32, #tpu.memory_space<hbm>> -> memref<40x128xi32, #tpu.memory_space<hbm>>
        tpu.enqueue_dma source(%dma_start3A_44 : memref<40x128xi32, #tpu.memory_space<hbm>>) target(%arg7 : memref<40x128xi32, #tpu.memory_space<vmem>>) target_semaphore(%run_scoped3A : memref<!tpu.dma_semaphore, #tpu.memory_space<semaphore_mem>>)
        %dma_wait3A = arith.constant 0 : i32
        %dma_wait3A_45 = tpu.memref_slice %arg3[%add3A, %mul3A_17, %dma_wait3A] : memref<32x80x128xi32, #tpu.memory_space<hbm>> -> memref<1x40x128xi32, #tpu.memory_space<hbm>>
        %dma_wait3A_46 = tpu.memref_squeeze %dma_wait3A_45 : memref<1x40x128xi32, #tpu.memory_space<hbm>> -> memref<40x128xi32, #tpu.memory_space<hbm>>
        %dma_wait3A_47 = arith.constant 0 : i32
        %dma_wait3A_48 = tpu.memref_slice %arg3[%add3A, %mul3A_17, %dma_wait3A_47] : memref<32x80x128xi32, #tpu.memory_space<hbm>> -> memref<1x40x128xi32, #tpu.memory_space<hbm>>
        %dma_wait3A_49 = tpu.memref_squeeze %dma_wait3A_48 : memref<1x40x128xi32, #tpu.memory_space<hbm>> -> memref<40x128xi32, #tpu.memory_space<hbm>>
        tpu.wait_dma2 semaphore(%run_scoped3A : memref<!tpu.dma_semaphore, #tpu.memory_space<semaphore_mem>>) src(%dma_wait3A_49 : memref<40x128xi32, #tpu.memory_space<hbm>>) dst(%arg7 : memref<40x128xi32, #tpu.memory_space<vmem>>)
        tpu.yield
      }) : () -> ()
      %mul3A_18 = arith.constant 40 : i32
      %mul3A_19 = arith.muli %scan3A_15, %mul3A_18 : i32
      "tpu.region"() ({
        %run_scoped3A = tpu.sem_alloc : memref<!tpu.dma_semaphore, #tpu.memory_space<semaphore_mem>>
        %dma_start3A_39 = arith.constant 0 : i32
        %dma_start3A_40 = tpu.memref_slice %arg4[%add3A, %mul3A_19, %dma_start3A_39] : memref<32x80x128xi32, #tpu.memory_space<hbm>> -> memref<1x40x128xi32, #tpu.memory_space<hbm>>
        %dma_start3A_41 = tpu.memref_squeeze %dma_start3A_40 : memref<1x40x128xi32, #tpu.memory_space<hbm>> -> memref<40x128xi32, #tpu.memory_space<hbm>>
        %dma_start3A_42 = arith.constant 0 : i32
        %dma_start3A_43 = tpu.memref_slice %arg4[%add3A, %mul3A_19, %dma_start3A_42] : memref<32x80x128xi32, #tpu.memory_space<hbm>> -> memref<1x40x128xi32, #tpu.memory_space<hbm>>
        %dma_start3A_44 = tpu.memref_squeeze %dma_start3A_43 : memref<1x40x128xi32, #tpu.memory_space<hbm>> -> memref<40x128xi32, #tpu.memory_space<hbm>>
        tpu.enqueue_dma source(%dma_start3A_44 : memref<40x128xi32, #tpu.memory_space<hbm>>) target(%arg8 : memref<40x128xi32, #tpu.memory_space<vmem>>) target_semaphore(%run_scoped3A : memref<!tpu.dma_semaphore, #tpu.memory_space<semaphore_mem>>)
        %dma_wait3A = arith.constant 0 : i32
        %dma_wait3A_45 = tpu.memref_slice %arg4[%add3A, %mul3A_19, %dma_wait3A] : memref<32x80x128xi32, #tpu.memory_space<hbm>> -> memref<1x40x128xi32, #tpu.memory_space<hbm>>
        %dma_wait3A_46 = tpu.memref_squeeze %dma_wait3A_45 : memref<1x40x128xi32, #tpu.memory_space<hbm>> -> memref<40x128xi32, #tpu.memory_space<hbm>>
        %dma_wait3A_47 = arith.constant 0 : i32
        %dma_wait3A_48 = tpu.memref_slice %arg4[%add3A, %mul3A_19, %dma_wait3A_47] : memref<32x80x128xi32, #tpu.memory_space<hbm>> -> memref<1x40x128xi32, #tpu.memory_space<hbm>>
        %dma_wait3A_49 = tpu.memref_squeeze %dma_wait3A_48 : memref<1x40x128xi32, #tpu.memory_space<hbm>> -> memref<40x128xi32, #tpu.memory_space<hbm>>
        tpu.wait_dma2 semaphore(%run_scoped3A : memref<!tpu.dma_semaphore, #tpu.memory_space<semaphore_mem>>) src(%dma_wait3A_49 : memref<40x128xi32, #tpu.memory_space<hbm>>) dst(%arg8 : memref<40x128xi32, #tpu.memory_space<vmem>>)
        tpu.yield
      }) : () -> ()
      %dma_start3A = arith.constant 0 : i32
      %dma_start3A_20 = arith.constant 0 : i32
      %dma_start3A_21 = tpu.memref_slice %arg7[%dma_start3A, %dma_start3A_20] : memref<40x128xi32, #tpu.memory_space<vmem>> -> memref<1x128xi32, #tpu.memory_space<vmem>>
      %dma_start3A_22 = tpu.memref_squeeze %dma_start3A_21 : memref<1x128xi32, #tpu.memory_space<vmem>> -> memref<128xi32, #tpu.memory_space<vmem>>
      %dma_start3A_23 = arith.constant 0 : i32
      %dma_start3A_24 = arith.constant 0 : i32
      %dma_start3A_25 = tpu.memref_slice %arg2[%dma_start3A_23, %dma_start3A_24] : memref<10000x128xf32, #tpu.memory_space<hbm>> -> memref<10000x128xf32, #tpu.memory_space<hbm>>
      tpu.enqueue_indirect_dma source(%dma_start3A_25 : memref<10000x128xf32, #tpu.memory_space<hbm>>) target(%arg9 : memref<128x128xf32, #tpu.memory_space<vmem>>) offsets(%dma_start3A_22 : memref<128xi32, #tpu.memory_space<vmem>>) semaphore(%arg12 : memref<!tpu.dma_semaphore, #tpu.memory_space<semaphore_mem>>)
      %dma_start3A_26 = arith.constant 1 : i32
      %dma_start3A_27 = arith.constant 0 : i32
      %dma_start3A_28 = tpu.memref_slice %arg7[%dma_start3A_26, %dma_start3A_27] : memref<40x128xi32, #tpu.memory_space<vmem>> -> memref<1x128xi32, #tpu.memory_space<vmem>>
      %dma_start3A_29 = tpu.memref_squeeze %dma_start3A_28 : memref<1x128xi32, #tpu.memory_space<vmem>> -> memref<128xi32, #tpu.memory_space<vmem>>
      %dma_start3A_30 = arith.constant 0 : i32
      %dma_start3A_31 = arith.constant 0 : i32
      %dma_start3A_32 = tpu.memref_slice %arg2[%dma_start3A_30, %dma_start3A_31] : memref<10000x128xf32, #tpu.memory_space<hbm>> -> memref<10000x128xf32, #tpu.memory_space<hbm>>
      tpu.enqueue_indirect_dma source(%dma_start3A_32 : memref<10000x128xf32, #tpu.memory_space<hbm>>) target(%arg10 : memref<128x128xf32, #tpu.memory_space<vmem>>) offsets(%dma_start3A_29 : memref<128xi32, #tpu.memory_space<vmem>>) semaphore(%arg13 : memref<!tpu.dma_semaphore, #tpu.memory_space<semaphore_mem>>)
      %scan3A_33 = arith.constant 0 : i32
      %scan3A_34 = arith.constant 0 : i32
      %scan3A_35 = arith.constant 20 : i32
      %scan3A_36 = arith.addi %scan3A_34, %scan3A_35 : i32
      %scan3A_37 = arith.constant 1 : i32
      scf.for %scan3A_39 = %scan3A_34 to %scan3A_36 step %scan3A_37  : i32 {
        %mul3A_40 = arith.constant 2 : i32
        %mul3A_41 = arith.muli %mul3A_40, %scan3A_39 : i32
        %add3A_42 = arith.constant 1 : i32
        %add3A_43 = arith.addi %mul3A_41, %add3A_42 : i32
        %dma_wait3A = arith.constant 0 : i32
        %dma_wait3A_44 = tpu.memref_slice %arg7[%mul3A_41, %dma_wait3A] : memref<40x128xi32, #tpu.memory_space<vmem>> -> memref<1x128xi32, #tpu.memory_space<vmem>>
        %dma_wait3A_45 = tpu.memref_squeeze %dma_wait3A_44 : memref<1x128xi32, #tpu.memory_space<vmem>> -> memref<128xi32, #tpu.memory_space<vmem>>
        %dma_wait3A_46 = arith.constant 0 : i32
        %dma_wait3A_47 = arith.constant 0 : i32
        %dma_wait3A_48 = tpu.memref_slice %arg2[%dma_wait3A_46, %dma_wait3A_47] : memref<10000x128xf32, #tpu.memory_space<hbm>> -> memref<10000x128xf32, #tpu.memory_space<hbm>>
        tpu.wait_indirect_dma semaphore(%arg12 : memref<!tpu.dma_semaphore, #tpu.memory_space<semaphore_mem>>) src(%dma_wait3A_48 : memref<10000x128xf32, #tpu.memory_space<hbm>>) dst(%arg9 : memref<128x128xf32, #tpu.memory_space<vmem>>)
        "tpu.region"() ({
          %run_scoped3A = tpu.sem_alloc : memref<!tpu.dma_semaphore, #tpu.memory_space<semaphore_mem>>
          %dma_start3A_66 = arith.constant 0 : i32
          %dma_start3A_67 = tpu.memref_slice %arg8[%mul3A_41, %dma_start3A_66] : memref<40x128xi32, #tpu.memory_space<vmem>> -> memref<1x128xi32, #tpu.memory_space<vmem>>
          %dma_start3A_68 = tpu.memref_squeeze %dma_start3A_67 : memref<1x128xi32, #tpu.memory_space<vmem>> -> memref<128xi32, #tpu.memory_space<vmem>>
          %dma_start3A_69 = arith.constant 0 : i32
          %dma_start3A_70 = arith.constant 0 : i32
          %dma_start3A_71 = tpu.memref_slice %arg11[%dma_start3A_69, %dma_start3A_70] : memref<10240x128xf32, #tpu.memory_space<vmem_shared>> -> memref<10240x128xf32, #tpu.memory_space<vmem_shared>>
          tpu.enqueue_indirect_dma source(%arg9 : memref<128x128xf32, #tpu.memory_space<vmem>>) target(%dma_start3A_71 : memref<10240x128xf32, #tpu.memory_space<vmem_shared>>) offsets(%dma_start3A_68 : memref<128xi32, #tpu.memory_space<vmem>>) semaphore(%run_scoped3A : memref<!tpu.dma_semaphore, #tpu.memory_space<semaphore_mem>>) {add = true}
          %dma_wait3A_72 = arith.constant 0 : i32
          %dma_wait3A_73 = tpu.memref_slice %arg8[%mul3A_41, %dma_wait3A_72] : memref<40x128xi32, #tpu.memory_space<vmem>> -> memref<1x128xi32, #tpu.memory_space<vmem>>
          %dma_wait3A_74 = tpu.memref_squeeze %dma_wait3A_73 : memref<1x128xi32, #tpu.memory_space<vmem>> -> memref<128xi32, #tpu.memory_space<vmem>>
          %dma_wait3A_75 = arith.constant 0 : i32
          %dma_wait3A_76 = arith.constant 0 : i32
          %dma_wait3A_77 = tpu.memref_slice %arg11[%dma_wait3A_75, %dma_wait3A_76] : memref<10240x128xf32, #tpu.memory_space<vmem_shared>> -> memref<10240x128xf32, #tpu.memory_space<vmem_shared>>
          tpu.wait_indirect_dma semaphore(%run_scoped3A : memref<!tpu.dma_semaphore, #tpu.memory_space<semaphore_mem>>) src(%arg9 : memref<128x128xf32, #tpu.memory_space<vmem>>) dst(%dma_wait3A_77 : memref<10240x128xf32, #tpu.memory_space<vmem_shared>>)
          tpu.yield
        }) : () -> ()
        %add3A_49 = arith.constant 2 : i32
        %add3A_50 = arith.addi %mul3A_41, %add3A_49 : i32
        %lt3A = arith.constant 40 : i32
        %lt3A_51 = arith.cmpi slt, %add3A_50, %lt3A : i32
        %convert_element_type3A = arith.extui %lt3A_51 : i1 to i32
        %cond3A = arith.constant 0 : i32
        %cond3A_52 = arith.cmpi ne, %convert_element_type3A, %cond3A : i32
        scf.if %cond3A_52 {
          %add3A_66 = arith.constant 2 : i32
          %add3A_67 = arith.addi %mul3A_41, %add3A_66 : i32
          %dma_start3A_68 = arith.constant 0 : i32
          %dma_start3A_69 = tpu.memref_slice %arg7[%add3A_67, %dma_start3A_68] : memref<40x128xi32, #tpu.memory_space<vmem>> -> memref<1x128xi32, #tpu.memory_space<vmem>>
          %dma_start3A_70 = tpu.memref_squeeze %dma_start3A_69 : memref<1x128xi32, #tpu.memory_space<vmem>> -> memref<128xi32, #tpu.memory_space<vmem>>
          %dma_start3A_71 = arith.constant 0 : i32
          %dma_start3A_72 = arith.constant 0 : i32
          %dma_start3A_73 = tpu.memref_slice %arg2[%dma_start3A_71, %dma_start3A_72] : memref<10000x128xf32, #tpu.memory_space<hbm>> -> memref<10000x128xf32, #tpu.memory_space<hbm>>
          tpu.enqueue_indirect_dma source(%dma_start3A_73 : memref<10000x128xf32, #tpu.memory_space<hbm>>) target(%arg9 : memref<128x128xf32, #tpu.memory_space<vmem>>) offsets(%dma_start3A_70 : memref<128xi32, #tpu.memory_space<vmem>>) semaphore(%arg12 : memref<!tpu.dma_semaphore, #tpu.memory_space<semaphore_mem>>)
        } else {
        }
        %dma_wait3A_53 = arith.constant 0 : i32
        %dma_wait3A_54 = tpu.memref_slice %arg7[%add3A_43, %dma_wait3A_53] : memref<40x128xi32, #tpu.memory_space<vmem>> -> memref<1x128xi32, #tpu.memory_space<vmem>>
        %dma_wait3A_55 = tpu.memref_squeeze %dma_wait3A_54 : memref<1x128xi32, #tpu.memory_space<vmem>> -> memref<128xi32, #tpu.memory_space<vmem>>
        %dma_wait3A_56 = arith.constant 0 : i32
        %dma_wait3A_57 = arith.constant 0 : i32
        %dma_wait3A_58 = tpu.memref_slice %arg2[%dma_wait3A_56, %dma_wait3A_57] : memref<10000x128xf32, #tpu.memory_space<hbm>> -> memref<10000x128xf32, #tpu.memory_space<hbm>>
        tpu.wait_indirect_dma semaphore(%arg13 : memref<!tpu.dma_semaphore, #tpu.memory_space<semaphore_mem>>) src(%dma_wait3A_58 : memref<10000x128xf32, #tpu.memory_space<hbm>>) dst(%arg10 : memref<128x128xf32, #tpu.memory_space<vmem>>)
        "tpu.region"() ({
          %run_scoped3A = tpu.sem_alloc : memref<!tpu.dma_semaphore, #tpu.memory_space<semaphore_mem>>
          %dma_start3A_66 = arith.constant 0 : i32
          %dma_start3A_67 = tpu.memref_slice %arg8[%add3A_43, %dma_start3A_66] : memref<40x128xi32, #tpu.memory_space<vmem>> -> memref<1x128xi32, #tpu.memory_space<vmem>>
          %dma_start3A_68 = tpu.memref_squeeze %dma_start3A_67 : memref<1x128xi32, #tpu.memory_space<vmem>> -> memref<128xi32, #tpu.memory_space<vmem>>
          %dma_start3A_69 = arith.constant 0 : i32
          %dma_start3A_70 = arith.constant 0 : i32
          %dma_start3A_71 = tpu.memref_slice %arg11[%dma_start3A_69, %dma_start3A_70] : memref<10240x128xf32, #tpu.memory_space<vmem_shared>> -> memref<10240x128xf32, #tpu.memory_space<vmem_shared>>
          tpu.enqueue_indirect_dma source(%arg10 : memref<128x128xf32, #tpu.memory_space<vmem>>) target(%dma_start3A_71 : memref<10240x128xf32, #tpu.memory_space<vmem_shared>>) offsets(%dma_start3A_68 : memref<128xi32, #tpu.memory_space<vmem>>) semaphore(%run_scoped3A : memref<!tpu.dma_semaphore, #tpu.memory_space<semaphore_mem>>) {add = true}
          %dma_wait3A_72 = arith.constant 0 : i32
          %dma_wait3A_73 = tpu.memref_slice %arg8[%add3A_43, %dma_wait3A_72] : memref<40x128xi32, #tpu.memory_space<vmem>> -> memref<1x128xi32, #tpu.memory_space<vmem>>
          %dma_wait3A_74 = tpu.memref_squeeze %dma_wait3A_73 : memref<1x128xi32, #tpu.memory_space<vmem>> -> memref<128xi32, #tpu.memory_space<vmem>>
          %dma_wait3A_75 = arith.constant 0 : i32
          %dma_wait3A_76 = arith.constant 0 : i32
          %dma_wait3A_77 = tpu.memref_slice %arg11[%dma_wait3A_75, %dma_wait3A_76] : memref<10240x128xf32, #tpu.memory_space<vmem_shared>> -> memref<10240x128xf32, #tpu.memory_space<vmem_shared>>
          tpu.wait_indirect_dma semaphore(%run_scoped3A : memref<!tpu.dma_semaphore, #tpu.memory_space<semaphore_mem>>) src(%arg10 : memref<128x128xf32, #tpu.memory_space<vmem>>) dst(%dma_wait3A_77 : memref<10240x128xf32, #tpu.memory_space<vmem_shared>>)
          tpu.yield
        }) : () -> ()
        %add3A_59 = arith.constant 2 : i32
        %add3A_60 = arith.addi %add3A_43, %add3A_59 : i32
        %lt3A_61 = arith.constant 40 : i32
        %lt3A_62 = arith.cmpi slt, %add3A_60, %lt3A_61 : i32
        %convert_element_type3A_63 = arith.extui %lt3A_62 : i1 to i32
        %cond3A_64 = arith.constant 0 : i32
        %cond3A_65 = arith.cmpi ne, %convert_element_type3A_63, %cond3A_64 : i32
        scf.if %cond3A_65 {
          %add3A_66 = arith.constant 2 : i32
          %add3A_67 = arith.addi %add3A_43, %add3A_66 : i32
          %dma_start3A_68 = arith.constant 0 : i32
          %dma_start3A_69 = tpu.memref_slice %arg7[%add3A_67, %dma_start3A_68] : memref<40x128xi32, #tpu.memory_space<vmem>> -> memref<1x128xi32, #tpu.memory_space<vmem>>
          %dma_start3A_70 = tpu.memref_squeeze %dma_start3A_69 : memref<1x128xi32, #tpu.memory_space<vmem>> -> memref<128xi32, #tpu.memory_space<vmem>>
          %dma_start3A_71 = arith.constant 0 : i32
          %dma_start3A_72 = arith.constant 0 : i32
          %dma_start3A_73 = tpu.memref_slice %arg2[%dma_start3A_71, %dma_start3A_72] : memref<10000x128xf32, #tpu.memory_space<hbm>> -> memref<10000x128xf32, #tpu.memory_space<hbm>>
          tpu.enqueue_indirect_dma source(%dma_start3A_73 : memref<10000x128xf32, #tpu.memory_space<hbm>>) target(%arg10 : memref<128x128xf32, #tpu.memory_space<vmem>>) offsets(%dma_start3A_70 : memref<128xi32, #tpu.memory_space<vmem>>) semaphore(%arg13 : memref<!tpu.dma_semaphore, #tpu.memory_space<semaphore_mem>>)
        } else {
        }
      }
      %scan3A_38 = arith.constant 20 : i32
    }
    %scan3A_13 = arith.constant 2 : i32
    %barrier3A_14 = arith.constant 0 : index
    tpu.barrier barrier_id(%barrier3A_14)
    "tpu.region"() ({
      %run_scoped3A = tpu.sem_alloc : memref<!tpu.dma_semaphore, #tpu.memory_space<semaphore_mem>>
      %dma_start3A = arith.constant 0 : i32
      %dma_start3A_15 = tpu.memref_slice %arg6[%arg0, %mul3A_2, %dma_start3A] : memref<2x10240x128xf32, #tpu.memory_space<hbm>> -> memref<1x640x128xf32, #tpu.memory_space<hbm>>
      %dma_start3A_16 = tpu.memref_squeeze %dma_start3A_15 : memref<1x640x128xf32, #tpu.memory_space<hbm>> -> memref<640x128xf32, #tpu.memory_space<hbm>>
      %dma_start3A_17 = arith.constant 0 : i32
      %dma_start3A_18 = tpu.memref_slice %arg11[%mul3A_2, %dma_start3A_17] : memref<10240x128xf32, #tpu.memory_space<vmem_shared>> -> memref<640x128xf32, #tpu.memory_space<vmem_shared>>
      tpu.enqueue_dma source(%dma_start3A_18 : memref<640x128xf32, #tpu.memory_space<vmem_shared>>) target(%dma_start3A_16 : memref<640x128xf32, #tpu.memory_space<hbm>>) target_semaphore(%run_scoped3A : memref<!tpu.dma_semaphore, #tpu.memory_space<semaphore_mem>>)
      %dma_wait3A = arith.constant 0 : i32
      %dma_wait3A_19 = tpu.memref_slice %arg6[%arg0, %mul3A_2, %dma_wait3A] : memref<2x10240x128xf32, #tpu.memory_space<hbm>> -> memref<1x640x128xf32, #tpu.memory_space<hbm>>
      %dma_wait3A_20 = tpu.memref_squeeze %dma_wait3A_19 : memref<1x640x128xf32, #tpu.memory_space<hbm>> -> memref<640x128xf32, #tpu.memory_space<hbm>>
      %dma_wait3A_21 = arith.constant 0 : i32
      %dma_wait3A_22 = tpu.memref_slice %arg11[%mul3A_2, %dma_wait3A_21] : memref<10240x128xf32, #tpu.memory_space<vmem_shared>> -> memref<640x128xf32, #tpu.memory_space<vmem_shared>>
      tpu.wait_dma2 semaphore(%run_scoped3A : memref<!tpu.dma_semaphore, #tpu.memory_space<semaphore_mem>>) src(%dma_wait3A_22 : memref<640x128xf32, #tpu.memory_space<vmem_shared>>) dst(%dma_wait3A_20 : memref<640x128xf32, #tpu.memory_space<hbm>>)
      tpu.yield
    }) : () -> ()
    return
  }
}

#map = affine_map<(d0, d1) -> (0, 0)>
#map1 = affine_map<(d0, d1) -> (0, 0, 0)>
module attributes {stable_mosaic.version = 14 : i64} {
  func.func @segsum(%arg0: i32, %arg1: i32, %arg2: memref<10000x128xf32, #tpu.memory_space<hbm>>, %arg3: memref<32x80x128xi32, #tpu.memory_space<hbm>>, %arg4: memref<32x80x128xi32, #tpu.memory_space<hbm>>, %arg5: memref<128x128xf32, #tpu.memory_space<hbm>>, %arg6: memref<2x10240x128xf32, #tpu.memory_space<hbm>>, %arg7: memref<40x128xi32, #tpu.memory_space<vmem>>, %arg8: memref<40x128xi32, #tpu.memory_space<vmem>>, %arg9: memref<128x128xf32, #tpu.memory_space<vmem>>, %arg10: memref<128x128xf32, #tpu.memory_space<vmem>>, %arg11: memref<10240x128xf32, #tpu.memory_space<vmem_shared>>, %arg12: memref<!tpu.dma_semaphore, #tpu.memory_space<semaphore_mem>>, %arg13: memref<!tpu.dma_semaphore, #tpu.memory_space<semaphore_mem>>) attributes {dimension_semantics = [#tpu.dimension_semantics<core_parallel>, #tpu.dimension_semantics<subcore_parallel>], iteration_bounds = array<i64: 2, 16>, scalar_prefetch = 0 : i64, scratch_operands = 7 : i64, tpu.core_type = #tpu.core_type<sc_vector_subcore>, window_params = [{transform_indices = #map}, {transform_indices = #map1}, {transform_indices = #map1}, {transform_indices = #map}, {transform_indices = #map1}]} {
    %mul3A = arith.constant 16 : i32
    %mul3A_0 = arith.muli %arg0, %mul3A : i32
    %add3A = arith.addi %mul3A_0, %arg1 : i32
    "tpu.region"() ({
      %run_scoped3A = tpu.sem_alloc : memref<!tpu.dma_semaphore, #tpu.memory_space<semaphore_mem>>
      tpu.enqueue_dma source(%arg5 : memref<128x128xf32, #tpu.memory_space<hbm>>) target(%arg9 : memref<128x128xf32, #tpu.memory_space<vmem>>) target_semaphore(%run_scoped3A : memref<!tpu.dma_semaphore, #tpu.memory_space<semaphore_mem>>)
      tpu.wait_dma2 semaphore(%run_scoped3A : memref<!tpu.dma_semaphore, #tpu.memory_space<semaphore_mem>>) src(%arg5 : memref<128x128xf32, #tpu.memory_space<hbm>>) dst(%arg9 : memref<128x128xf32, #tpu.memory_space<vmem>>)
      tpu.yield
    }) : () -> ()
    %mul3A_1 = arith.constant 640 : i32
    %mul3A_2 = arith.muli %arg1, %mul3A_1 : i32
    %scan3A = arith.constant 0 : i32
    %scan3A_3 = arith.constant 0 : i32
    %scan3A_4 = arith.constant 5 : i32
    %scan3A_5 = arith.addi %scan3A_3, %scan3A_4 : i32
    %scan3A_6 = arith.constant 1 : i32
    scf.for %scan3A_15 = %scan3A_3 to %scan3A_5 step %scan3A_6  : i32 {
      %mul3A_16 = arith.constant 128 : i32
      %mul3A_17 = arith.muli %scan3A_15, %mul3A_16 : i32
      %add3A_18 = arith.addi %mul3A_2, %mul3A_17 : i32
      "tpu.region"() ({
        %run_scoped3A = tpu.sem_alloc : memref<!tpu.dma_semaphore, #tpu.memory_space<semaphore_mem>>
        %dma_start3A = arith.constant 0 : i32
        %dma_start3A_19 = tpu.memref_slice %arg11[%add3A_18, %dma_start3A] : memref<10240x128xf32, #tpu.memory_space<vmem_shared>> -> memref<128x128xf32, #tpu.memory_space<vmem_shared>>
        %dma_start3A_20 = arith.constant 0 : i32
        %dma_start3A_21 = tpu.memref_slice %arg11[%add3A_18, %dma_start3A_20] : memref<10240x128xf32, #tpu.memory_space<vmem_shared>> -> memref<128x128xf32, #tpu.memory_space<vmem_shared>>
        tpu.enqueue_dma source(%arg9 : memref<128x128xf32, #tpu.memory_space<vmem>>) target(%dma_start3A_21 : memref<128x128xf32, #tpu.memory_space<vmem_shared>>) target_semaphore(%run_scoped3A : memref<!tpu.dma_semaphore, #tpu.memory_space<semaphore_mem>>)
        %dma_wait3A = arith.constant 0 : i32
        %dma_wait3A_22 = tpu.memref_slice %arg11[%add3A_18, %dma_wait3A] : memref<10240x128xf32, #tpu.memory_space<vmem_shared>> -> memref<128x128xf32, #tpu.memory_space<vmem_shared>>
        %dma_wait3A_23 = arith.constant 0 : i32
        %dma_wait3A_24 = tpu.memref_slice %arg11[%add3A_18, %dma_wait3A_23] : memref<10240x128xf32, #tpu.memory_space<vmem_shared>> -> memref<128x128xf32, #tpu.memory_space<vmem_shared>>
        tpu.wait_dma2 semaphore(%run_scoped3A : memref<!tpu.dma_semaphore, #tpu.memory_space<semaphore_mem>>) src(%arg9 : memref<128x128xf32, #tpu.memory_space<vmem>>) dst(%dma_wait3A_24 : memref<128x128xf32, #tpu.memory_space<vmem_shared>>)
        tpu.yield
      }) : () -> ()
    }
    %scan3A_7 = arith.constant 5 : i32
    %barrier3A = arith.constant 0 : index
    tpu.barrier barrier_id(%barrier3A)
    %scan3A_8 = arith.constant 0 : i32
    %scan3A_9 = arith.constant 0 : i32
    %scan3A_10 = arith.constant 2 : i32
    %scan3A_11 = arith.addi %scan3A_9, %scan3A_10 : i32
    %scan3A_12 = arith.constant 1 : i32
    scf.for %scan3A_15 = %scan3A_9 to %scan3A_11 step %scan3A_12  : i32 {
      %mul3A_16 = arith.constant 40 : i32
      %mul3A_17 = arith.muli %scan3A_15, %mul3A_16 : i32
      "tpu.region"() ({
        %run_scoped3A = tpu.sem_alloc : memref<!tpu.dma_semaphore, #tpu.memory_space<semaphore_mem>>
        %dma_start3A_39 = arith.constant 0 : i32
        %dma_start3A_40 = tpu.memref_slice %arg3[%add3A, %mul3A_17, %dma_start3A_39] : memref<32x80x128xi32, #tpu.memory_space<hbm>> -> memref<1x40x128xi32, #tpu.memory_space<hbm>>
        %dma_start3A_41 = tpu.memref_squeeze %dma_start3A_40 : memref<1x40x128xi32, #tpu.memory_space<hbm>> -> memref<40x128xi32, #tpu.memory_space<hbm>>
        %dma_start3A_42 = arith.constant 0 : i32
        %dma_start3A_43 = tpu.memref_slice %arg3[%add3A, %mul3A_17, %dma_start3A_42] : memref<32x80x128xi32, #tpu.memory_space<hbm>> -> memref<1x40x128xi32, #tpu.memory_space<hbm>>
        %dma_start3A_44 = tpu.memref_squeeze %dma_start3A_43 : memref<1x40x128xi32, #tpu.memory_space<hbm>> -> memref<40x128xi32, #tpu.memory_space<hbm>>
        tpu.enqueue_dma source(%dma_start3A_44 : memref<40x128xi32, #tpu.memory_space<hbm>>) target(%arg7 : memref<40x128xi32, #tpu.memory_space<vmem>>) target_semaphore(%run_scoped3A : memref<!tpu.dma_semaphore, #tpu.memory_space<semaphore_mem>>)
        %dma_wait3A = arith.constant 0 : i32
        %dma_wait3A_45 = tpu.memref_slice %arg3[%add3A, %mul3A_17, %dma_wait3A] : memref<32x80x128xi32, #tpu.memory_space<hbm>> -> memref<1x40x128xi32, #tpu.memory_space<hbm>>
        %dma_wait3A_46 = tpu.memref_squeeze %dma_wait3A_45 : memref<1x40x128xi32, #tpu.memory_space<hbm>> -> memref<40x128xi32, #tpu.memory_space<hbm>>
        %dma_wait3A_47 = arith.constant 0 : i32
        %dma_wait3A_48 = tpu.memref_slice %arg3[%add3A, %mul3A_17, %dma_wait3A_47] : memref<32x80x128xi32, #tpu.memory_space<hbm>> -> memref<1x40x128xi32, #tpu.memory_space<hbm>>
        %dma_wait3A_49 = tpu.memref_squeeze %dma_wait3A_48 : memref<1x40x128xi32, #tpu.memory_space<hbm>> -> memref<40x128xi32, #tpu.memory_space<hbm>>
        tpu.wait_dma2 semaphore(%run_scoped3A : memref<!tpu.dma_semaphore, #tpu.memory_space<semaphore_mem>>) src(%dma_wait3A_49 : memref<40x128xi32, #tpu.memory_space<hbm>>) dst(%arg7 : memref<40x128xi32, #tpu.memory_space<vmem>>)
        tpu.yield
      }) : () -> ()
      %mul3A_18 = arith.constant 40 : i32
      %mul3A_19 = arith.muli %scan3A_15, %mul3A_18 : i32
      "tpu.region"() ({
        %run_scoped3A = tpu.sem_alloc : memref<!tpu.dma_semaphore, #tpu.memory_space<semaphore_mem>>
        %dma_start3A_39 = arith.constant 0 : i32
        %dma_start3A_40 = tpu.memref_slice %arg4[%add3A, %mul3A_19, %dma_start3A_39] : memref<32x80x128xi32, #tpu.memory_space<hbm>> -> memref<1x40x128xi32, #tpu.memory_space<hbm>>
        %dma_start3A_41 = tpu.memref_squeeze %dma_start3A_40 : memref<1x40x128xi32, #tpu.memory_space<hbm>> -> memref<40x128xi32, #tpu.memory_space<hbm>>
        %dma_start3A_42 = arith.constant 0 : i32
        %dma_start3A_43 = tpu.memref_slice %arg4[%add3A, %mul3A_19, %dma_start3A_42] : memref<32x80x128xi32, #tpu.memory_space<hbm>> -> memref<1x40x128xi32, #tpu.memory_space<hbm>>
        %dma_start3A_44 = tpu.memref_squeeze %dma_start3A_43 : memref<1x40x128xi32, #tpu.memory_space<hbm>> -> memref<40x128xi32, #tpu.memory_space<hbm>>
        tpu.enqueue_dma source(%dma_start3A_44 : memref<40x128xi32, #tpu.memory_space<hbm>>) target(%arg8 : memref<40x128xi32, #tpu.memory_space<vmem>>) target_semaphore(%run_scoped3A : memref<!tpu.dma_semaphore, #tpu.memory_space<semaphore_mem>>)
        %dma_wait3A = arith.constant 0 : i32
        %dma_wait3A_45 = tpu.memref_slice %arg4[%add3A, %mul3A_19, %dma_wait3A] : memref<32x80x128xi32, #tpu.memory_space<hbm>> -> memref<1x40x128xi32, #tpu.memory_space<hbm>>
        %dma_wait3A_46 = tpu.memref_squeeze %dma_wait3A_45 : memref<1x40x128xi32, #tpu.memory_space<hbm>> -> memref<40x128xi32, #tpu.memory_space<hbm>>
        %dma_wait3A_47 = arith.constant 0 : i32
        %dma_wait3A_48 = tpu.memref_slice %arg4[%add3A, %mul3A_19, %dma_wait3A_47] : memref<32x80x128xi32, #tpu.memory_space<hbm>> -> memref<1x40x128xi32, #tpu.memory_space<hbm>>
        %dma_wait3A_49 = tpu.memref_squeeze %dma_wait3A_48 : memref<1x40x128xi32, #tpu.memory_space<hbm>> -> memref<40x128xi32, #tpu.memory_space<hbm>>
        tpu.wait_dma2 semaphore(%run_scoped3A : memref<!tpu.dma_semaphore, #tpu.memory_space<semaphore_mem>>) src(%dma_wait3A_49 : memref<40x128xi32, #tpu.memory_space<hbm>>) dst(%arg8 : memref<40x128xi32, #tpu.memory_space<vmem>>)
        tpu.yield
      }) : () -> ()
      %dma_start3A = arith.constant 0 : i32
      %dma_start3A_20 = arith.constant 0 : i32
      %dma_start3A_21 = tpu.memref_slice %arg7[%dma_start3A, %dma_start3A_20] : memref<40x128xi32, #tpu.memory_space<vmem>> -> memref<1x128xi32, #tpu.memory_space<vmem>>
      %dma_start3A_22 = tpu.memref_squeeze %dma_start3A_21 : memref<1x128xi32, #tpu.memory_space<vmem>> -> memref<128xi32, #tpu.memory_space<vmem>>
      %dma_start3A_23 = arith.constant 0 : i32
      %dma_start3A_24 = arith.constant 0 : i32
      %dma_start3A_25 = tpu.memref_slice %arg2[%dma_start3A_23, %dma_start3A_24] : memref<10000x128xf32, #tpu.memory_space<hbm>> -> memref<10000x128xf32, #tpu.memory_space<hbm>>
      tpu.enqueue_indirect_dma source(%dma_start3A_25 : memref<10000x128xf32, #tpu.memory_space<hbm>>) target(%arg9 : memref<128x128xf32, #tpu.memory_space<vmem>>) offsets(%dma_start3A_22 : memref<128xi32, #tpu.memory_space<vmem>>) semaphore(%arg12 : memref<!tpu.dma_semaphore, #tpu.memory_space<semaphore_mem>>)
      %dma_start3A_26 = arith.constant 1 : i32
      %dma_start3A_27 = arith.constant 0 : i32
      %dma_start3A_28 = tpu.memref_slice %arg7[%dma_start3A_26, %dma_start3A_27] : memref<40x128xi32, #tpu.memory_space<vmem>> -> memref<1x128xi32, #tpu.memory_space<vmem>>
      %dma_start3A_29 = tpu.memref_squeeze %dma_start3A_28 : memref<1x128xi32, #tpu.memory_space<vmem>> -> memref<128xi32, #tpu.memory_space<vmem>>
      %dma_start3A_30 = arith.constant 0 : i32
      %dma_start3A_31 = arith.constant 0 : i32
      %dma_start3A_32 = tpu.memref_slice %arg2[%dma_start3A_30, %dma_start3A_31] : memref<10000x128xf32, #tpu.memory_space<hbm>> -> memref<10000x128xf32, #tpu.memory_space<hbm>>
      tpu.enqueue_indirect_dma source(%dma_start3A_32 : memref<10000x128xf32, #tpu.memory_space<hbm>>) target(%arg10 : memref<128x128xf32, #tpu.memory_space<vmem>>) offsets(%dma_start3A_29 : memref<128xi32, #tpu.memory_space<vmem>>) semaphore(%arg13 : memref<!tpu.dma_semaphore, #tpu.memory_space<semaphore_mem>>)
      %scan3A_33 = arith.constant 0 : i32
      %scan3A_34 = arith.constant 0 : i32
      %scan3A_35 = arith.constant 20 : i32
      %scan3A_36 = arith.addi %scan3A_34, %scan3A_35 : i32
      %scan3A_37 = arith.constant 1 : i32
      scf.for %scan3A_39 = %scan3A_34 to %scan3A_36 step %scan3A_37  : i32 {
        %mul3A_40 = arith.constant 2 : i32
        %mul3A_41 = arith.muli %mul3A_40, %scan3A_39 : i32
        %add3A_42 = arith.constant 1 : i32
        %add3A_43 = arith.addi %mul3A_41, %add3A_42 : i32
        %dma_wait3A = arith.constant 0 : i32
        %dma_wait3A_44 = tpu.memref_slice %arg7[%mul3A_41, %dma_wait3A] : memref<40x128xi32, #tpu.memory_space<vmem>> -> memref<1x128xi32, #tpu.memory_space<vmem>>
        %dma_wait3A_45 = tpu.memref_squeeze %dma_wait3A_44 : memref<1x128xi32, #tpu.memory_space<vmem>> -> memref<128xi32, #tpu.memory_space<vmem>>
        %dma_wait3A_46 = arith.constant 0 : i32
        %dma_wait3A_47 = arith.constant 0 : i32
        %dma_wait3A_48 = tpu.memref_slice %arg2[%dma_wait3A_46, %dma_wait3A_47] : memref<10000x128xf32, #tpu.memory_space<hbm>> -> memref<10000x128xf32, #tpu.memory_space<hbm>>
        tpu.wait_indirect_dma semaphore(%arg12 : memref<!tpu.dma_semaphore, #tpu.memory_space<semaphore_mem>>) src(%dma_wait3A_48 : memref<10000x128xf32, #tpu.memory_space<hbm>>) dst(%arg9 : memref<128x128xf32, #tpu.memory_space<vmem>>)
        "tpu.region"() ({
          %run_scoped3A = tpu.sem_alloc : memref<!tpu.dma_semaphore, #tpu.memory_space<semaphore_mem>>
          %dma_start3A_66 = arith.constant 0 : i32
          %dma_start3A_67 = tpu.memref_slice %arg8[%mul3A_41, %dma_start3A_66] : memref<40x128xi32, #tpu.memory_space<vmem>> -> memref<1x128xi32, #tpu.memory_space<vmem>>
          %dma_start3A_68 = tpu.memref_squeeze %dma_start3A_67 : memref<1x128xi32, #tpu.memory_space<vmem>> -> memref<128xi32, #tpu.memory_space<vmem>>
          %dma_start3A_69 = arith.constant 0 : i32
          %dma_start3A_70 = arith.constant 0 : i32
          %dma_start3A_71 = tpu.memref_slice %arg11[%dma_start3A_69, %dma_start3A_70] : memref<10240x128xf32, #tpu.memory_space<vmem_shared>> -> memref<10240x128xf32, #tpu.memory_space<vmem_shared>>
          tpu.enqueue_indirect_dma source(%arg9 : memref<128x128xf32, #tpu.memory_space<vmem>>) target(%dma_start3A_71 : memref<10240x128xf32, #tpu.memory_space<vmem_shared>>) offsets(%dma_start3A_68 : memref<128xi32, #tpu.memory_space<vmem>>) semaphore(%run_scoped3A : memref<!tpu.dma_semaphore, #tpu.memory_space<semaphore_mem>>) {add = true}
          %dma_wait3A_72 = arith.constant 0 : i32
          %dma_wait3A_73 = tpu.memref_slice %arg8[%mul3A_41, %dma_wait3A_72] : memref<40x128xi32, #tpu.memory_space<vmem>> -> memref<1x128xi32, #tpu.memory_space<vmem>>
          %dma_wait3A_74 = tpu.memref_squeeze %dma_wait3A_73 : memref<1x128xi32, #tpu.memory_space<vmem>> -> memref<128xi32, #tpu.memory_space<vmem>>
          %dma_wait3A_75 = arith.constant 0 : i32
          %dma_wait3A_76 = arith.constant 0 : i32
          %dma_wait3A_77 = tpu.memref_slice %arg11[%dma_wait3A_75, %dma_wait3A_76] : memref<10240x128xf32, #tpu.memory_space<vmem_shared>> -> memref<10240x128xf32, #tpu.memory_space<vmem_shared>>
          tpu.wait_indirect_dma semaphore(%run_scoped3A : memref<!tpu.dma_semaphore, #tpu.memory_space<semaphore_mem>>) src(%arg9 : memref<128x128xf32, #tpu.memory_space<vmem>>) dst(%dma_wait3A_77 : memref<10240x128xf32, #tpu.memory_space<vmem_shared>>)
          tpu.yield
        }) : () -> ()
        %add3A_49 = arith.constant 2 : i32
        %add3A_50 = arith.addi %mul3A_41, %add3A_49 : i32
        %lt3A = arith.constant 40 : i32
        %lt3A_51 = arith.cmpi slt, %add3A_50, %lt3A : i32
        %convert_element_type3A = arith.extui %lt3A_51 : i1 to i32
        %cond3A = arith.constant 0 : i32
        %cond3A_52 = arith.cmpi ne, %convert_element_type3A, %cond3A : i32
        scf.if %cond3A_52 {
          %add3A_66 = arith.constant 2 : i32
          %add3A_67 = arith.addi %mul3A_41, %add3A_66 : i32
          %dma_start3A_68 = arith.constant 0 : i32
          %dma_start3A_69 = tpu.memref_slice %arg7[%add3A_67, %dma_start3A_68] : memref<40x128xi32, #tpu.memory_space<vmem>> -> memref<1x128xi32, #tpu.memory_space<vmem>>
          %dma_start3A_70 = tpu.memref_squeeze %dma_start3A_69 : memref<1x128xi32, #tpu.memory_space<vmem>> -> memref<128xi32, #tpu.memory_space<vmem>>
          %dma_start3A_71 = arith.constant 0 : i32
          %dma_start3A_72 = arith.constant 0 : i32
          %dma_start3A_73 = tpu.memref_slice %arg2[%dma_start3A_71, %dma_start3A_72] : memref<10000x128xf32, #tpu.memory_space<hbm>> -> memref<10000x128xf32, #tpu.memory_space<hbm>>
          tpu.enqueue_indirect_dma source(%dma_start3A_73 : memref<10000x128xf32, #tpu.memory_space<hbm>>) target(%arg9 : memref<128x128xf32, #tpu.memory_space<vmem>>) offsets(%dma_start3A_70 : memref<128xi32, #tpu.memory_space<vmem>>) semaphore(%arg12 : memref<!tpu.dma_semaphore, #tpu.memory_space<semaphore_mem>>)
        } else {
        }
        %dma_wait3A_53 = arith.constant 0 : i32
        %dma_wait3A_54 = tpu.memref_slice %arg7[%add3A_43, %dma_wait3A_53] : memref<40x128xi32, #tpu.memory_space<vmem>> -> memref<1x128xi32, #tpu.memory_space<vmem>>
        %dma_wait3A_55 = tpu.memref_squeeze %dma_wait3A_54 : memref<1x128xi32, #tpu.memory_space<vmem>> -> memref<128xi32, #tpu.memory_space<vmem>>
        %dma_wait3A_56 = arith.constant 0 : i32
        %dma_wait3A_57 = arith.constant 0 : i32
        %dma_wait3A_58 = tpu.memref_slice %arg2[%dma_wait3A_56, %dma_wait3A_57] : memref<10000x128xf32, #tpu.memory_space<hbm>> -> memref<10000x128xf32, #tpu.memory_space<hbm>>
        tpu.wait_indirect_dma semaphore(%arg13 : memref<!tpu.dma_semaphore, #tpu.memory_space<semaphore_mem>>) src(%dma_wait3A_58 : memref<10000x128xf32, #tpu.memory_space<hbm>>) dst(%arg10 : memref<128x128xf32, #tpu.memory_space<vmem>>)
        "tpu.region"() ({
          %run_scoped3A = tpu.sem_alloc : memref<!tpu.dma_semaphore, #tpu.memory_space<semaphore_mem>>
          %dma_start3A_66 = arith.constant 0 : i32
          %dma_start3A_67 = tpu.memref_slice %arg8[%add3A_43, %dma_start3A_66] : memref<40x128xi32, #tpu.memory_space<vmem>> -> memref<1x128xi32, #tpu.memory_space<vmem>>
          %dma_start3A_68 = tpu.memref_squeeze %dma_start3A_67 : memref<1x128xi32, #tpu.memory_space<vmem>> -> memref<128xi32, #tpu.memory_space<vmem>>
          %dma_start3A_69 = arith.constant 0 : i32
          %dma_start3A_70 = arith.constant 0 : i32
          %dma_start3A_71 = tpu.memref_slice %arg11[%dma_start3A_69, %dma_start3A_70] : memref<10240x128xf32, #tpu.memory_space<vmem_shared>> -> memref<10240x128xf32, #tpu.memory_space<vmem_shared>>
          tpu.enqueue_indirect_dma source(%arg10 : memref<128x128xf32, #tpu.memory_space<vmem>>) target(%dma_start3A_71 : memref<10240x128xf32, #tpu.memory_space<vmem_shared>>) offsets(%dma_start3A_68 : memref<128xi32, #tpu.memory_space<vmem>>) semaphore(%run_scoped3A : memref<!tpu.dma_semaphore, #tpu.memory_space<semaphore_mem>>) {add = true}
          %dma_wait3A_72 = arith.constant 0 : i32
          %dma_wait3A_73 = tpu.memref_slice %arg8[%add3A_43, %dma_wait3A_72] : memref<40x128xi32, #tpu.memory_space<vmem>> -> memref<1x128xi32, #tpu.memory_space<vmem>>
          %dma_wait3A_74 = tpu.memref_squeeze %dma_wait3A_73 : memref<1x128xi32, #tpu.memory_space<vmem>> -> memref<128xi32, #tpu.memory_space<vmem>>
          %dma_wait3A_75 = arith.constant 0 : i32
          %dma_wait3A_76 = arith.constant 0 : i32
          %dma_wait3A_77 = tpu.memref_slice %arg11[%dma_wait3A_75, %dma_wait3A_76] : memref<10240x128xf32, #tpu.memory_space<vmem_shared>> -> memref<10240x128xf32, #tpu.memory_space<vmem_shared>>
          tpu.wait_indirect_dma semaphore(%run_scoped3A : memref<!tpu.dma_semaphore, #tpu.memory_space<semaphore_mem>>) src(%arg10 : memref<128x128xf32, #tpu.memory_space<vmem>>) dst(%dma_wait3A_77 : memref<10240x128xf32, #tpu.memory_space<vmem_shared>>)
          tpu.yield
        }) : () -> ()
        %add3A_59 = arith.constant 2 : i32
        %add3A_60 = arith.addi %add3A_43, %add3A_59 : i32
        %lt3A_61 = arith.constant 40 : i32
        %lt3A_62 = arith.cmpi slt, %add3A_60, %lt3A_61 : i32
        %convert_element_type3A_63 = arith.extui %lt3A_62 : i1 to i32
        %cond3A_64 = arith.constant 0 : i32
        %cond3A_65 = arith.cmpi ne, %convert_element_type3A_63, %cond3A_64 : i32
        scf.if %cond3A_65 {
          %add3A_66 = arith.constant 2 : i32
          %add3A_67 = arith.addi %add3A_43, %add3A_66 : i32
          %dma_start3A_68 = arith.constant 0 : i32
          %dma_start3A_69 = tpu.memref_slice %arg7[%add3A_67, %dma_start3A_68] : memref<40x128xi32, #tpu.memory_space<vmem>> -> memref<1x128xi32, #tpu.memory_space<vmem>>
          %dma_start3A_70 = tpu.memref_squeeze %dma_start3A_69 : memref<1x128xi32, #tpu.memory_space<vmem>> -> memref<128xi32, #tpu.memory_space<vmem>>
          %dma_start3A_71 = arith.constant 0 : i32
          %dma_start3A_72 = arith.constant 0 : i32
          %dma_start3A_73 = tpu.memref_slice %arg2[%dma_start3A_71, %dma_start3A_72] : memref<10000x128xf32, #tpu.memory_space<hbm>> -> memref<10000x128xf32, #tpu.memory_space<hbm>>
          tpu.enqueue_indirect_dma source(%dma_start3A_73 : memref<10000x128xf32, #tpu.memory_space<hbm>>) target(%arg10 : memref<128x128xf32, #tpu.memory_space<vmem>>) offsets(%dma_start3A_70 : memref<128xi32, #tpu.memory_space<vmem>>) semaphore(%arg13 : memref<!tpu.dma_semaphore, #tpu.memory_space<semaphore_mem>>)
        } else {
        }
      }
      %scan3A_38 = arith.constant 20 : i32
    }
    %scan3A_13 = arith.constant 2 : i32
    %barrier3A_14 = arith.constant 0 : index
    tpu.barrier barrier_id(%barrier3A_14)
    "tpu.region"() ({
      %run_scoped3A = tpu.sem_alloc : memref<!tpu.dma_semaphore, #tpu.memory_space<semaphore_mem>>
      %dma_start3A = arith.constant 0 : i32
      %dma_start3A_15 = tpu.memref_slice %arg6[%arg0, %mul3A_2, %dma_start3A] : memref<2x10240x128xf32, #tpu.memory_space<hbm>> -> memref<1x640x128xf32, #tpu.memory_space<hbm>>
      %dma_start3A_16 = tpu.memref_squeeze %dma_start3A_15 : memref<1x640x128xf32, #tpu.memory_space<hbm>> -> memref<640x128xf32, #tpu.memory_space<hbm>>
      %dma_start3A_17 = arith.constant 0 : i32
      %dma_start3A_18 = tpu.memref_slice %arg11[%mul3A_2, %dma_start3A_17] : memref<10240x128xf32, #tpu.memory_space<vmem_shared>> -> memref<640x128xf32, #tpu.memory_space<vmem_shared>>
      tpu.enqueue_dma source(%dma_start3A_18 : memref<640x128xf32, #tpu.memory_space<vmem_shared>>) target(%dma_start3A_16 : memref<640x128xf32, #tpu.memory_space<hbm>>) target_semaphore(%run_scoped3A : memref<!tpu.dma_semaphore, #tpu.memory_space<semaphore_mem>>)
      %dma_wait3A = arith.constant 0 : i32
      %dma_wait3A_19 = tpu.memref_slice %arg6[%arg0, %mul3A_2, %dma_wait3A] : memref<2x10240x128xf32, #tpu.memory_space<hbm>> -> memref<1x640x128xf32, #tpu.memory_space<hbm>>
      %dma_wait3A_20 = tpu.memref_squeeze %dma_wait3A_19 : memref<1x640x128xf32, #tpu.memory_space<hbm>> -> memref<640x128xf32, #tpu.memory_space<hbm>>
      %dma_wait3A_21 = arith.constant 0 : i32
      %dma_wait3A_22 = tpu.memref_slice %arg11[%mul3A_2, %dma_wait3A_21] : memref<10240x128xf32, #tpu.memory_space<vmem_shared>> -> memref<640x128xf32, #tpu.memory_space<vmem_shared>>
      tpu.wait_dma2 semaphore(%run_scoped3A : memref<!tpu.dma_semaphore, #tpu.memory_space<semaphore_mem>>) src(%dma_wait3A_22 : memref<640x128xf32, #tpu.memory_space<vmem_shared>>) dst(%dma_wait3A_20 : memref<640x128xf32, #tpu.memory_space<hbm>>)
      tpu.yield
    }) : () -> ()
    return
  }
}

#map = affine_map<(d0, d1) -> (0, 0, 0)>
#map1 = affine_map<(d0, d1) -> (0, 0)>
#map2 = affine_map<(d0, d1) -> (0, 0, 0, 0)>
module attributes {stable_mosaic.version = 14 : i64} {
  func.func @hist(%arg0: i32, %arg1: i32, %arg2: memref<32x80x128xi32, #tpu.memory_space<hbm>>, %arg3: memref<32x2x128xi32, #tpu.memory_space<hbm>>, %arg4: memref<128x128xf32, #tpu.memory_space<hbm>>, %arg5: memref<32x2x128x128xf32, #tpu.memory_space<hbm>>, %arg6: memref<128x128xf32, #tpu.memory_space<hbm>>, %arg7: memref<2x10240x128xf32, #tpu.memory_space<hbm>>, %arg8: memref<80x128xi32, #tpu.memory_space<vmem>>, %arg9: memref<2x128xi32, #tpu.memory_space<vmem>>, %arg10: memref<128x128xf32, #tpu.memory_space<vmem>>, %arg11: memref<128x128xf32, #tpu.memory_space<vmem>>, %arg12: memref<10240x128xf32, #tpu.memory_space<vmem_shared>>) attributes {dimension_semantics = [#tpu.dimension_semantics<core_parallel>, #tpu.dimension_semantics<subcore_parallel>], iteration_bounds = array<i64: 2, 16>, scalar_prefetch = 0 : i64, scratch_operands = 5 : i64, tpu.core_type = #tpu.core_type<sc_vector_subcore>, window_params = [{transform_indices = #map}, {transform_indices = #map}, {transform_indices = #map1}, {transform_indices = #map2}, {transform_indices = #map1}, {transform_indices = #map}]} {
    %mul3A = arith.constant 16 : i32
    %mul3A_0 = arith.muli %arg0, %mul3A : i32
    %add3A = arith.addi %mul3A_0, %arg1 : i32
    "tpu.region"() ({
      %run_scoped3A = tpu.sem_alloc : memref<!tpu.dma_semaphore, #tpu.memory_space<semaphore_mem>>
      %dma_start3A = arith.constant 0 : i32
      %dma_start3A_21 = arith.constant 0 : i32
      %dma_start3A_22 = tpu.memref_slice %arg2[%add3A, %dma_start3A, %dma_start3A_21] : memref<32x80x128xi32, #tpu.memory_space<hbm>> -> memref<1x80x128xi32, #tpu.memory_space<hbm>>
      %dma_start3A_23 = tpu.memref_squeeze %dma_start3A_22 : memref<1x80x128xi32, #tpu.memory_space<hbm>> -> memref<80x128xi32, #tpu.memory_space<hbm>>
      %dma_start3A_24 = arith.constant 0 : i32
      %dma_start3A_25 = arith.constant 0 : i32
      %dma_start3A_26 = tpu.memref_slice %arg2[%add3A, %dma_start3A_24, %dma_start3A_25] : memref<32x80x128xi32, #tpu.memory_space<hbm>> -> memref<1x80x128xi32, #tpu.memory_space<hbm>>
      %dma_start3A_27 = tpu.memref_squeeze %dma_start3A_26 : memref<1x80x128xi32, #tpu.memory_space<hbm>> -> memref<80x128xi32, #tpu.memory_space<hbm>>
      tpu.enqueue_dma source(%dma_start3A_27 : memref<80x128xi32, #tpu.memory_space<hbm>>) target(%arg8 : memref<80x128xi32, #tpu.memory_space<vmem>>) target_semaphore(%run_scoped3A : memref<!tpu.dma_semaphore, #tpu.memory_space<semaphore_mem>>)
      %dma_wait3A = arith.constant 0 : i32
      %dma_wait3A_28 = arith.constant 0 : i32
      %dma_wait3A_29 = tpu.memref_slice %arg2[%add3A, %dma_wait3A, %dma_wait3A_28] : memref<32x80x128xi32, #tpu.memory_space<hbm>> -> memref<1x80x128xi32, #tpu.memory_space<hbm>>
      %dma_wait3A_30 = tpu.memref_squeeze %dma_wait3A_29 : memref<1x80x128xi32, #tpu.memory_space<hbm>> -> memref<80x128xi32, #tpu.memory_space<hbm>>
      %dma_wait3A_31 = arith.constant 0 : i32
      %dma_wait3A_32 = arith.constant 0 : i32
      %dma_wait3A_33 = tpu.memref_slice %arg2[%add3A, %dma_wait3A_31, %dma_wait3A_32] : memref<32x80x128xi32, #tpu.memory_space<hbm>> -> memref<1x80x128xi32, #tpu.memory_space<hbm>>
      %dma_wait3A_34 = tpu.memref_squeeze %dma_wait3A_33 : memref<1x80x128xi32, #tpu.memory_space<hbm>> -> memref<80x128xi32, #tpu.memory_space<hbm>>
      tpu.wait_dma2 semaphore(%run_scoped3A : memref<!tpu.dma_semaphore, #tpu.memory_space<semaphore_mem>>) src(%dma_wait3A_34 : memref<80x128xi32, #tpu.memory_space<hbm>>) dst(%arg8 : memref<80x128xi32, #tpu.memory_space<vmem>>)
      tpu.yield
    }) : () -> ()
    "tpu.region"() ({
      %run_scoped3A = tpu.sem_alloc : memref<!tpu.dma_semaphore, #tpu.memory_space<semaphore_mem>>
      %dma_start3A = arith.constant 0 : i32
      %dma_start3A_21 = arith.constant 0 : i32
      %dma_start3A_22 = tpu.memref_slice %arg3[%add3A, %dma_start3A, %dma_start3A_21] : memref<32x2x128xi32, #tpu.memory_space<hbm>> -> memref<1x2x128xi32, #tpu.memory_space<hbm>>
      %dma_start3A_23 = tpu.memref_squeeze %dma_start3A_22 : memref<1x2x128xi32, #tpu.memory_space<hbm>> -> memref<2x128xi32, #tpu.memory_space<hbm>>
      %dma_start3A_24 = arith.constant 0 : i32
      %dma_start3A_25 = arith.constant 0 : i32
      %dma_start3A_26 = tpu.memref_slice %arg3[%add3A, %dma_start3A_24, %dma_start3A_25] : memref<32x2x128xi32, #tpu.memory_space<hbm>> -> memref<1x2x128xi32, #tpu.memory_space<hbm>>
      %dma_start3A_27 = tpu.memref_squeeze %dma_start3A_26 : memref<1x2x128xi32, #tpu.memory_space<hbm>> -> memref<2x128xi32, #tpu.memory_space<hbm>>
      tpu.enqueue_dma source(%dma_start3A_27 : memref<2x128xi32, #tpu.memory_space<hbm>>) target(%arg9 : memref<2x128xi32, #tpu.memory_space<vmem>>) target_semaphore(%run_scoped3A : memref<!tpu.dma_semaphore, #tpu.memory_space<semaphore_mem>>)
      %dma_wait3A = arith.constant 0 : i32
      %dma_wait3A_28 = arith.constant 0 : i32
      %dma_wait3A_29 = tpu.memref_slice %arg3[%add3A, %dma_wait3A, %dma_wait3A_28] : memref<32x2x128xi32, #tpu.memory_space<hbm>> -> memref<1x2x128xi32, #tpu.memory_space<hbm>>
      %dma_wait3A_30 = tpu.memref_squeeze %dma_wait3A_29 : memref<1x2x128xi32, #tpu.memory_space<hbm>> -> memref<2x128xi32, #tpu.memory_space<hbm>>
      %dma_wait3A_31 = arith.constant 0 : i32
      %dma_wait3A_32 = arith.constant 0 : i32
      %dma_wait3A_33 = tpu.memref_slice %arg3[%add3A, %dma_wait3A_31, %dma_wait3A_32] : memref<32x2x128xi32, #tpu.memory_space<hbm>> -> memref<1x2x128xi32, #tpu.memory_space<hbm>>
      %dma_wait3A_34 = tpu.memref_squeeze %dma_wait3A_33 : memref<1x2x128xi32, #tpu.memory_space<hbm>> -> memref<2x128xi32, #tpu.memory_space<hbm>>
      tpu.wait_dma2 semaphore(%run_scoped3A : memref<!tpu.dma_semaphore, #tpu.memory_space<semaphore_mem>>) src(%dma_wait3A_34 : memref<2x128xi32, #tpu.memory_space<hbm>>) dst(%arg9 : memref<2x128xi32, #tpu.memory_space<vmem>>)
      tpu.yield
    }) : () -> ()
    "tpu.region"() ({
      %run_scoped3A = tpu.sem_alloc : memref<!tpu.dma_semaphore, #tpu.memory_space<semaphore_mem>>
      tpu.enqueue_dma source(%arg6 : memref<128x128xf32, #tpu.memory_space<hbm>>) target(%arg11 : memref<128x128xf32, #tpu.memory_space<vmem>>) target_semaphore(%run_scoped3A : memref<!tpu.dma_semaphore, #tpu.memory_space<semaphore_mem>>)
      tpu.wait_dma2 semaphore(%run_scoped3A : memref<!tpu.dma_semaphore, #tpu.memory_space<semaphore_mem>>) src(%arg6 : memref<128x128xf32, #tpu.memory_space<hbm>>) dst(%arg11 : memref<128x128xf32, #tpu.memory_space<vmem>>)
      tpu.yield
    }) : () -> ()
    %mul3A_1 = arith.constant 640 : i32
    %mul3A_2 = arith.muli %arg1, %mul3A_1 : i32
    %scan3A = arith.constant 0 : i32
    %scan3A_3 = arith.constant 0 : i32
    %scan3A_4 = arith.constant 5 : i32
    %scan3A_5 = arith.addi %scan3A_3, %scan3A_4 : i32
    %scan3A_6 = arith.constant 1 : i32
    scf.for %scan3A_21 = %scan3A_3 to %scan3A_5 step %scan3A_6  : i32 {
      %mul3A_22 = arith.constant 128 : i32
      %mul3A_23 = arith.muli %scan3A_21, %mul3A_22 : i32
      %add3A_24 = arith.addi %mul3A_2, %mul3A_23 : i32
      "tpu.region"() ({
        %run_scoped3A = tpu.sem_alloc : memref<!tpu.dma_semaphore, #tpu.memory_space<semaphore_mem>>
        %dma_start3A = arith.constant 0 : i32
        %dma_start3A_25 = tpu.memref_slice %arg12[%add3A_24, %dma_start3A] : memref<10240x128xf32, #tpu.memory_space<vmem_shared>> -> memref<128x128xf32, #tpu.memory_space<vmem_shared>>
        %dma_start3A_26 = arith.constant 0 : i32
        %dma_start3A_27 = tpu.memref_slice %arg12[%add3A_24, %dma_start3A_26] : memref<10240x128xf32, #tpu.memory_space<vmem_shared>> -> memref<128x128xf32, #tpu.memory_space<vmem_shared>>
        tpu.enqueue_dma source(%arg11 : memref<128x128xf32, #tpu.memory_space<vmem>>) target(%dma_start3A_27 : memref<128x128xf32, #tpu.memory_space<vmem_shared>>) target_semaphore(%run_scoped3A : memref<!tpu.dma_semaphore, #tpu.memory_space<semaphore_mem>>)
        %dma_wait3A = arith.constant 0 : i32
        %dma_wait3A_28 = tpu.memref_slice %arg12[%add3A_24, %dma_wait3A] : memref<10240x128xf32, #tpu.memory_space<vmem_shared>> -> memref<128x128xf32, #tpu.memory_space<vmem_shared>>
        %dma_wait3A_29 = arith.constant 0 : i32
        %dma_wait3A_30 = tpu.memref_slice %arg12[%add3A_24, %dma_wait3A_29] : memref<10240x128xf32, #tpu.memory_space<vmem_shared>> -> memref<128x128xf32, #tpu.memory_space<vmem_shared>>
        tpu.wait_dma2 semaphore(%run_scoped3A : memref<!tpu.dma_semaphore, #tpu.memory_space<semaphore_mem>>) src(%arg11 : memref<128x128xf32, #tpu.memory_space<vmem>>) dst(%dma_wait3A_30 : memref<128x128xf32, #tpu.memory_space<vmem_shared>>)
        tpu.yield
      }) : () -> ()
    }
    %scan3A_7 = arith.constant 5 : i32
    "tpu.region"() ({
      %run_scoped3A = tpu.sem_alloc : memref<!tpu.dma_semaphore, #tpu.memory_space<semaphore_mem>>
      tpu.enqueue_dma source(%arg4 : memref<128x128xf32, #tpu.memory_space<hbm>>) target(%arg10 : memref<128x128xf32, #tpu.memory_space<vmem>>) target_semaphore(%run_scoped3A : memref<!tpu.dma_semaphore, #tpu.memory_space<semaphore_mem>>)
      tpu.wait_dma2 semaphore(%run_scoped3A : memref<!tpu.dma_semaphore, #tpu.memory_space<semaphore_mem>>) src(%arg4 : memref<128x128xf32, #tpu.memory_space<hbm>>) dst(%arg10 : memref<128x128xf32, #tpu.memory_space<vmem>>)
      tpu.yield
    }) : () -> ()
    %barrier3A = arith.constant 0 : index
    tpu.barrier barrier_id(%barrier3A)
    %scan3A_8 = arith.constant 0 : i32
    %scan3A_9 = arith.constant 0 : i32
    %scan3A_10 = arith.constant 80 : i32
    %scan3A_11 = arith.addi %scan3A_9, %scan3A_10 : i32
    %scan3A_12 = arith.constant 1 : i32
    scf.for %scan3A_21 = %scan3A_9 to %scan3A_11 step %scan3A_12  : i32 {
      "tpu.region"() ({
        %run_scoped3A = tpu.sem_alloc : memref<!tpu.dma_semaphore, #tpu.memory_space<semaphore_mem>>
        %dma_start3A = arith.constant 0 : i32
        %dma_start3A_22 = tpu.memref_slice %arg8[%scan3A_21, %dma_start3A] : memref<80x128xi32, #tpu.memory_space<vmem>> -> memref<1x128xi32, #tpu.memory_space<vmem>>
        %dma_start3A_23 = tpu.memref_squeeze %dma_start3A_22 : memref<1x128xi32, #tpu.memory_space<vmem>> -> memref<128xi32, #tpu.memory_space<vmem>>
        %dma_start3A_24 = arith.constant 0 : i32
        %dma_start3A_25 = arith.constant 0 : i32
        %dma_start3A_26 = tpu.memref_slice %arg12[%dma_start3A_24, %dma_start3A_25] : memref<10240x128xf32, #tpu.memory_space<vmem_shared>> -> memref<10240x128xf32, #tpu.memory_space<vmem_shared>>
        tpu.enqueue_indirect_dma source(%arg10 : memref<128x128xf32, #tpu.memory_space<vmem>>) target(%dma_start3A_26 : memref<10240x128xf32, #tpu.memory_space<vmem_shared>>) offsets(%dma_start3A_23 : memref<128xi32, #tpu.memory_space<vmem>>) semaphore(%run_scoped3A : memref<!tpu.dma_semaphore, #tpu.memory_space<semaphore_mem>>) {add = true}
        %dma_wait3A = arith.constant 0 : i32
        %dma_wait3A_27 = tpu.memref_slice %arg8[%scan3A_21, %dma_wait3A] : memref<80x128xi32, #tpu.memory_space<vmem>> -> memref<1x128xi32, #tpu.memory_space<vmem>>
        %dma_wait3A_28 = tpu.memref_squeeze %dma_wait3A_27 : memref<1x128xi32, #tpu.memory_space<vmem>> -> memref<128xi32, #tpu.memory_space<vmem>>
        %dma_wait3A_29 = arith.constant 0 : i32
        %dma_wait3A_30 = arith.constant 0 : i32
        %dma_wait3A_31 = tpu.memref_slice %arg12[%dma_wait3A_29, %dma_wait3A_30] : memref<10240x128xf32, #tpu.memory_space<vmem_shared>> -> memref<10240x128xf32, #tpu.memory_space<vmem_shared>>
        tpu.wait_indirect_dma semaphore(%run_scoped3A : memref<!tpu.dma_semaphore, #tpu.memory_space<semaphore_mem>>) src(%arg10 : memref<128x128xf32, #tpu.memory_space<vmem>>) dst(%dma_wait3A_31 : memref<10240x128xf32, #tpu.memory_space<vmem_shared>>)
        tpu.yield
      }) : () -> ()
    }
    %scan3A_13 = arith.constant 80 : i32
    %scan3A_14 = arith.constant 0 : i32
    %scan3A_15 = arith.constant 0 : i32
    %scan3A_16 = arith.constant 2 : i32
    %scan3A_17 = arith.addi %scan3A_15, %scan3A_16 : i32
    %scan3A_18 = arith.constant 1 : i32
    scf.for %scan3A_21 = %scan3A_15 to %scan3A_17 step %scan3A_18  : i32 {
      "tpu.region"() ({
        %run_scoped3A = tpu.sem_alloc : memref<!tpu.dma_semaphore, #tpu.memory_space<semaphore_mem>>
        %dma_start3A = arith.constant 0 : i32
        %dma_start3A_22 = arith.constant 0 : i32
        %dma_start3A_23 = tpu.memref_slice %arg5[%add3A, %scan3A_21, %dma_start3A, %dma_start3A_22] : memref<32x2x128x128xf32, #tpu.memory_space<hbm>> -> memref<1x1x128x128xf32, #tpu.memory_space<hbm>>
        %dma_start3A_24 = tpu.memref_squeeze %dma_start3A_23 : memref<1x1x128x128xf32, #tpu.memory_space<hbm>> -> memref<128x128xf32, #tpu.memory_space<hbm>>
        %dma_start3A_25 = arith.constant 0 : i32
        %dma_start3A_26 = arith.constant 0 : i32
        %dma_start3A_27 = tpu.memref_slice %arg5[%add3A, %scan3A_21, %dma_start3A_25, %dma_start3A_26] : memref<32x2x128x128xf32, #tpu.memory_space<hbm>> -> memref<1x1x128x128xf32, #tpu.memory_space<hbm>>
        %dma_start3A_28 = tpu.memref_squeeze %dma_start3A_27 : memref<1x1x128x128xf32, #tpu.memory_space<hbm>> -> memref<128x128xf32, #tpu.memory_space<hbm>>
        tpu.enqueue_dma source(%dma_start3A_28 : memref<128x128xf32, #tpu.memory_space<hbm>>) target(%arg10 : memref<128x128xf32, #tpu.memory_space<vmem>>) target_semaphore(%run_scoped3A : memref<!tpu.dma_semaphore, #tpu.memory_space<semaphore_mem>>)
        %dma_wait3A = arith.constant 0 : i32
        %dma_wait3A_29 = arith.constant 0 : i32
        %dma_wait3A_30 = tpu.memref_slice %arg5[%add3A, %scan3A_21, %dma_wait3A, %dma_wait3A_29] : memref<32x2x128x128xf32, #tpu.memory_space<hbm>> -> memref<1x1x128x128xf32, #tpu.memory_space<hbm>>
        %dma_wait3A_31 = tpu.memref_squeeze %dma_wait3A_30 : memref<1x1x128x128xf32, #tpu.memory_space<hbm>> -> memref<128x128xf32, #tpu.memory_space<hbm>>
        %dma_wait3A_32 = arith.constant 0 : i32
        %dma_wait3A_33 = arith.constant 0 : i32
        %dma_wait3A_34 = tpu.memref_slice %arg5[%add3A, %scan3A_21, %dma_wait3A_32, %dma_wait3A_33] : memref<32x2x128x128xf32, #tpu.memory_space<hbm>> -> memref<1x1x128x128xf32, #tpu.memory_space<hbm>>
        %dma_wait3A_35 = tpu.memref_squeeze %dma_wait3A_34 : memref<1x1x128x128xf32, #tpu.memory_space<hbm>> -> memref<128x128xf32, #tpu.memory_space<hbm>>
        tpu.wait_dma2 semaphore(%run_scoped3A : memref<!tpu.dma_semaphore, #tpu.memory_space<semaphore_mem>>) src(%dma_wait3A_35 : memref<128x128xf32, #tpu.memory_space<hbm>>) dst(%arg10 : memref<128x128xf32, #tpu.memory_space<vmem>>)
        tpu.yield
      }) : () -> ()
      "tpu.region"() ({
        %run_scoped3A = tpu.sem_alloc : memref<!tpu.dma_semaphore, #tpu.memory_space<semaphore_mem>>
        %dma_start3A = arith.constant 0 : i32
        %dma_start3A_22 = tpu.memref_slice %arg9[%scan3A_21, %dma_start3A] : memref<2x128xi32, #tpu.memory_space<vmem>> -> memref<1x128xi32, #tpu.memory_space<vmem>>
        %dma_start3A_23 = tpu.memref_squeeze %dma_start3A_22 : memref<1x128xi32, #tpu.memory_space<vmem>> -> memref<128xi32, #tpu.memory_space<vmem>>
        %dma_start3A_24 = arith.constant 0 : i32
        %dma_start3A_25 = arith.constant 0 : i32
        %dma_start3A_26 = tpu.memref_slice %arg12[%dma_start3A_24, %dma_start3A_25] : memref<10240x128xf32, #tpu.memory_space<vmem_shared>> -> memref<10240x128xf32, #tpu.memory_space<vmem_shared>>
        tpu.enqueue_indirect_dma source(%arg10 : memref<128x128xf32, #tpu.memory_space<vmem>>) target(%dma_start3A_26 : memref<10240x128xf32, #tpu.memory_space<vmem_shared>>) offsets(%dma_start3A_23 : memref<128xi32, #tpu.memory_space<vmem>>) semaphore(%run_scoped3A : memref<!tpu.dma_semaphore, #tpu.memory_space<semaphore_mem>>) {add = true}
        %dma_wait3A = arith.constant 0 : i32
        %dma_wait3A_27 = tpu.memref_slice %arg9[%scan3A_21, %dma_wait3A] : memref<2x128xi32, #tpu.memory_space<vmem>> -> memref<1x128xi32, #tpu.memory_space<vmem>>
        %dma_wait3A_28 = tpu.memref_squeeze %dma_wait3A_27 : memref<1x128xi32, #tpu.memory_space<vmem>> -> memref<128xi32, #tpu.memory_space<vmem>>
        %dma_wait3A_29 = arith.constant 0 : i32
        %dma_wait3A_30 = arith.constant 0 : i32
        %dma_wait3A_31 = tpu.memref_slice %arg12[%dma_wait3A_29, %dma_wait3A_30] : memref<10240x128xf32, #tpu.memory_space<vmem_shared>> -> memref<10240x128xf32, #tpu.memory_space<vmem_shared>>
        tpu.wait_indirect_dma semaphore(%run_scoped3A : memref<!tpu.dma_semaphore, #tpu.memory_space<semaphore_mem>>) src(%arg10 : memref<128x128xf32, #tpu.memory_space<vmem>>) dst(%dma_wait3A_31 : memref<10240x128xf32, #tpu.memory_space<vmem_shared>>)
        tpu.yield
      }) : () -> ()
    }
    %scan3A_19 = arith.constant 2 : i32
    %barrier3A_20 = arith.constant 0 : index
    tpu.barrier barrier_id(%barrier3A_20)
    "tpu.region"() ({
      %run_scoped3A = tpu.sem_alloc : memref<!tpu.dma_semaphore, #tpu.memory_space<semaphore_mem>>
      %dma_start3A = arith.constant 0 : i32
      %dma_start3A_21 = tpu.memref_slice %arg7[%arg0, %mul3A_2, %dma_start3A] : memref<2x10240x128xf32, #tpu.memory_space<hbm>> -> memref<1x640x128xf32, #tpu.memory_space<hbm>>
      %dma_start3A_22 = tpu.memref_squeeze %dma_start3A_21 : memref<1x640x128xf32, #tpu.memory_space<hbm>> -> memref<640x128xf32, #tpu.memory_space<hbm>>
      %dma_start3A_23 = arith.constant 0 : i32
      %dma_start3A_24 = tpu.memref_slice %arg12[%mul3A_2, %dma_start3A_23] : memref<10240x128xf32, #tpu.memory_space<vmem_shared>> -> memref<640x128xf32, #tpu.memory_space<vmem_shared>>
      tpu.enqueue_dma source(%dma_start3A_24 : memref<640x128xf32, #tpu.memory_space<vmem_shared>>) target(%dma_start3A_22 : memref<640x128xf32, #tpu.memory_space<hbm>>) target_semaphore(%run_scoped3A : memref<!tpu.dma_semaphore, #tpu.memory_space<semaphore_mem>>)
      %dma_wait3A = arith.constant 0 : i32
      %dma_wait3A_25 = tpu.memref_slice %arg7[%arg0, %mul3A_2, %dma_wait3A] : memref<2x10240x128xf32, #tpu.memory_space<hbm>> -> memref<1x640x128xf32, #tpu.memory_space<hbm>>
      %dma_wait3A_26 = tpu.memref_squeeze %dma_wait3A_25 : memref<1x640x128xf32, #tpu.memory_space<hbm>> -> memref<640x128xf32, #tpu.memory_space<hbm>>
      %dma_wait3A_27 = arith.constant 0 : i32
      %dma_wait3A_28 = tpu.memref_slice %arg12[%mul3A_2, %dma_wait3A_27] : memref<10240x128xf32, #tpu.memory_space<vmem_shared>> -> memref<640x128xf32, #tpu.memory_space<vmem_shared>>
      tpu.wait_dma2 semaphore(%run_scoped3A : memref<!tpu.dma_semaphore, #tpu.memory_space<semaphore_mem>>) src(%dma_wait3A_28 : memref<640x128xf32, #tpu.memory_space<vmem_shared>>) dst(%dma_wait3A_26 : memref<640x128xf32, #tpu.memory_space<hbm>>)
      tpu.yield
    }) : () -> ()
    return
  }
}

module attributes {stable_mosaic.version = 14 : i64} {
  func.func @_h1raw_body(%arg0: i32, %arg1: memref<2000x128xf32, #tpu.memory_space<vmem>>, %arg2: memref<128x128xf32, #tpu.memory_space<vmem>>, %arg3: memref<2000x128xf32, #tpu.memory_space<vmem>>) attributes {dimension_semantics = [#tpu.dimension_semantics<arbitrary>], iteration_bounds = array<i64: 5>, scalar_prefetch = 0 : i64, scratch_operands = 0 : i64, tpu.core_type = #tpu.core_type<tc>, window_params = [{transform_indices = @transform_0, window_bounds = array<i64: 2000, 128>}, {pipeline_mode = #tpu.pipeline_mode<synchronous>, transform_indices = @transform_1, window_bounds = array<i64: 128, 128>}, {transform_indices = @transform_2, window_bounds = array<i64: 2000, 128>}]} {
    %get3A = arith.constant 0 : index
    %get3A_0 = arith.constant 0 : index
    %get3A_1 = vector.load %arg1[%get3A, %get3A_0] : memref<2000x128xf32, #tpu.memory_space<vmem>>, vector<2000x128xf32>
    %get3A_2 = arith.constant 0 : index
    %get3A_3 = arith.constant 0 : index
    %get3A_4 = vector.load %arg2[%get3A_2, %get3A_3] : memref<128x128xf32, #tpu.memory_space<vmem>>, vector<128x128xf32>
    %dot_general3A = arith.constant dense<0.000000e+00> : vector<2000x128xf32>
    %dot_general3A_5 = tpu.matmul %get3A_1, %get3A_4, %dot_general3A {dimension_numbers = #tpu.dot_dimension_numbers<[1], [0], [0], [1], [0, 0, 1, 1], [], []>, transpose_lhs_hint = false} : vector<2000x128xf32>, vector<128x128xf32>, vector<2000x128xf32> -> vector<2000x128xf32>
    %swap3A = arith.constant 0 : index
    %swap3A_6 = arith.constant 0 : index
    %swap3A_7 = vector.load %arg3[%swap3A, %swap3A_6] : memref<2000x128xf32, #tpu.memory_space<vmem>>, vector<2000x128xf32>
    tpu.vector_store %arg3[%swap3A, %swap3A_6], %dot_general3A_5 {strides = array<i32>} : memref<2000x128xf32, #tpu.memory_space<vmem>>, vector<2000x128xf32>,
    return
  }
  func.func @transform_0(%arg0: i32) -> (i32, i32) {
    %c0_i32 = arith.constant 0 : i32
    %c0_i32_0 = arith.constant 0 : i32
    return %arg0, %c0_i32 : i32, i32
  }
  func.func @transform_1(%arg0: i32) -> (i32, i32) {
    %c0_i32 = arith.constant 0 : i32
    %c0_i32_0 = arith.constant 0 : i32
    %c0_i32_1 = arith.constant 0 : i32
    return %c0_i32, %c0_i32_0 : i32, i32
  }
  func.func @transform_2(%arg0: i32) -> (i32, i32) {
    %c0_i32 = arith.constant 0 : i32
    %c0_i32_0 = arith.constant 0 : i32
    return %arg0, %c0_i32 : i32, i32
  }
}

module attributes {stable_mosaic.version = 14 : i64} {
  func.func @_scale_body(%arg0: i32, %arg1: memref<2000x128xf32, #tpu.memory_space<vmem>>, %arg2: memref<2x2000x128xf32, #tpu.memory_space<vmem>>, %arg3: memref<2000x128xf32, #tpu.memory_space<vmem>>, %arg4: memref<2000x8xf32, #tpu.memory_space<vmem>>) attributes {dimension_semantics = [#tpu.dimension_semantics<arbitrary>], iteration_bounds = array<i64: 5>, scalar_prefetch = 0 : i64, scratch_operands = 0 : i64, tpu.core_type = #tpu.core_type<tc>, window_params = [{transform_indices = @transform_0, window_bounds = array<i64: 2000, 128>}, {transform_indices = @transform_1, window_bounds = array<i64: 2, 2000, 128>}, {transform_indices = @transform_2, window_bounds = array<i64: 2000, 128>}, {transform_indices = @transform_3, window_bounds = array<i64: 2000, 8>}]} {
    %get3A = arith.constant 0 : index
    %get3A_0 = arith.constant 0 : index
    %get3A_1 = arith.constant 0 : index
    %get3A_2 = vector.load %arg2[%get3A, %get3A_0, %get3A_1] : memref<2x2000x128xf32, #tpu.memory_space<vmem>>, vector<1x2000x1xf32>
    %get3A_3 = vector.shape_cast %get3A_2 : vector<1x2000x1xf32> to vector<2000x1xf32>
    %get3A_4 = arith.constant 1 : index
    %get3A_5 = arith.constant 0 : index
    %get3A_6 = arith.constant 0 : index
    %get3A_7 = vector.load %arg2[%get3A_4, %get3A_5, %get3A_6] : memref<2x2000x128xf32, #tpu.memory_space<vmem>>, vector<1x2000x1xf32>
    %get3A_8 = vector.shape_cast %get3A_7 : vector<1x2000x1xf32> to vector<2000x1xf32>
    %add3A = arith.addf %get3A_3, %get3A_8 : vector<2000x1xf32>
    %add3A_9 = arith.constant 1.000000e+00 : f32
    %add3A_10 = vector.broadcast %add3A_9 : f32 to vector<2000x1xf32>
    %add3A_11 = arith.addf %add3A, %add3A_10 : vector<2000x1xf32>
    %rsqrt3A = math.rsqrt %add3A_11 : vector<2000x1xf32>
    %get3A_12 = arith.constant 0 : index
    %get3A_13 = arith.constant 0 : index
    %get3A_14 = vector.load %arg1[%get3A_12, %get3A_13] : memref<2000x128xf32, #tpu.memory_space<vmem>>, vector<2000x128xf32>
    %mul3A = vector.broadcast %rsqrt3A : vector<2000x1xf32> to vector<2000x128xf32>
    %mul3A_15 = arith.mulf %get3A_14, %mul3A : vector<2000x128xf32>
    %swap3A = arith.constant 0 : index
    %swap3A_16 = arith.constant 0 : index
    %swap3A_17 = vector.load %arg3[%swap3A, %swap3A_16] : memref<2000x128xf32, #tpu.memory_space<vmem>>, vector<2000x128xf32>
    tpu.vector_store %arg3[%swap3A, %swap3A_16], %mul3A_15 {strides = array<i32>} : memref<2000x128xf32, #tpu.memory_space<vmem>>, vector<2000x128xf32>,
    %iota3A = tpu.iota {dimensions = array<i32: 1>} : vector<1x8xi32>
    %iota3A_18 = vector.shape_cast %iota3A : vector<1x8xi32> to vector<8xi32>
    %get3A_19 = arith.constant 0 : index
    %get3A_20 = arith.constant 0 : index
    %get3A_21 = arith.constant 1 : index
    %get3A_22 = vector.load %arg2[%get3A_19, %get3A_20, %get3A_21] : memref<2x2000x128xf32, #tpu.memory_space<vmem>>, vector<1x2000x1xf32>
    %get3A_23 = vector.shape_cast %get3A_22 : vector<1x2000x1xf32> to vector<2000x1xf32>
    %get3A_24 = arith.constant 1 : index
    %get3A_25 = arith.constant 0 : index
    %get3A_26 = arith.constant 1 : index
    %get3A_27 = vector.load %arg2[%get3A_24, %get3A_25, %get3A_26] : memref<2x2000x128xf32, #tpu.memory_space<vmem>>, vector<1x2000x1xf32>
    %get3A_28 = vector.shape_cast %get3A_27 : vector<1x2000x1xf32> to vector<2000x1xf32>
    %add3A_29 = arith.addf %get3A_23, %get3A_28 : vector<2000x1xf32>
    %get3A_30 = arith.constant 0 : index
    %get3A_31 = arith.constant 0 : index
    %get3A_32 = arith.constant 2 : index
    %get3A_33 = vector.load %arg2[%get3A_30, %get3A_31, %get3A_32] : memref<2x2000x128xf32, #tpu.memory_space<vmem>>, vector<1x2000x1xf32>
    %get3A_34 = vector.shape_cast %get3A_33 : vector<1x2000x1xf32> to vector<2000x1xf32>
    %get3A_35 = arith.constant 1 : index
    %get3A_36 = arith.constant 0 : index
    %get3A_37 = arith.constant 2 : index
    %get3A_38 = vector.load %arg2[%get3A_35, %get3A_36, %get3A_37] : memref<2x2000x128xf32, #tpu.memory_space<vmem>>, vector<1x2000x1xf32>
    %get3A_39 = vector.shape_cast %get3A_38 : vector<1x2000x1xf32> to vector<2000x1xf32>
    %add3A_40 = arith.addf %get3A_34, %get3A_39 : vector<2000x1xf32>
    %eq3A = arith.constant 0 : i32
    %eq3A_41 = vector.broadcast %eq3A : i32 to vector<8xi32>
    %eq3A_42 = arith.cmpi eq, %iota3A_18, %eq3A_41 : vector<8xi32>
    %convert_element_type3A = arith.extui %eq3A_42 : vector<8xi1> to vector<8xi32>
    %convert_element_type3A_43 = arith.sitofp %convert_element_type3A : vector<8xi32> to vector<8xf32>
    %broadcast_in_dim3A = vector.shape_cast %convert_element_type3A_43 : vector<8xf32> to vector<1x8xf32>
    %mul3A_44 = vector.broadcast %rsqrt3A : vector<2000x1xf32> to vector<2000x8xf32>
    %mul3A_45 = vector.broadcast %broadcast_in_dim3A : vector<1x8xf32> to vector<2000x8xf32>
    %mul3A_46 = arith.mulf %mul3A_44, %mul3A_45 : vector<2000x8xf32>
    %eq3A_47 = arith.constant 1 : i32
    %eq3A_48 = vector.broadcast %eq3A_47 : i32 to vector<8xi32>
    %eq3A_49 = arith.cmpi eq, %iota3A_18, %eq3A_48 : vector<8xi32>
    %convert_element_type3A_50 = arith.extui %eq3A_49 : vector<8xi1> to vector<8xi32>
    %convert_element_type3A_51 = arith.sitofp %convert_element_type3A_50 : vector<8xi32> to vector<8xf32>
    %broadcast_in_dim3A_52 = vector.shape_cast %convert_element_type3A_51 : vector<8xf32> to vector<1x8xf32>
    %mul3A_53 = vector.broadcast %add3A_29 : vector<2000x1xf32> to vector<2000x8xf32>
    %mul3A_54 = vector.broadcast %broadcast_in_dim3A_52 : vector<1x8xf32> to vector<2000x8xf32>
    %mul3A_55 = arith.mulf %mul3A_53, %mul3A_54 : vector<2000x8xf32>
    %add3A_56 = arith.addf %mul3A_46, %mul3A_55 : vector<2000x8xf32>
    %eq3A_57 = arith.constant 2 : i32
    %eq3A_58 = vector.broadcast %eq3A_57 : i32 to vector<8xi32>
    %eq3A_59 = arith.cmpi eq, %iota3A_18, %eq3A_58 : vector<8xi32>
    %convert_element_type3A_60 = arith.extui %eq3A_59 : vector<8xi1> to vector<8xi32>
    %convert_element_type3A_61 = arith.sitofp %convert_element_type3A_60 : vector<8xi32> to vector<8xf32>
    %broadcast_in_dim3A_62 = vector.shape_cast %convert_element_type3A_61 : vector<8xf32> to vector<1x8xf32>
    %mul3A_63 = vector.broadcast %add3A_40 : vector<2000x1xf32> to vector<2000x8xf32>
    %mul3A_64 = vector.broadcast %broadcast_in_dim3A_62 : vector<1x8xf32> to vector<2000x8xf32>
    %mul3A_65 = arith.mulf %mul3A_63, %mul3A_64 : vector<2000x8xf32>
    %add3A_66 = arith.addf %add3A_56, %mul3A_65 : vector<2000x8xf32>
    %swap3A_67 = arith.constant 0 : index
    %swap3A_68 = arith.constant 0 : index
    %swap3A_69 = vector.load %arg4[%swap3A_67, %swap3A_68] : memref<2000x8xf32, #tpu.memory_space<vmem>>, vector<2000x8xf32>
    tpu.vector_store %arg4[%swap3A_67, %swap3A_68], %add3A_66 {strides = array<i32>} : memref<2000x8xf32, #tpu.memory_space<vmem>>, vector<2000x8xf32>,
    return
  }
  func.func @transform_0(%arg0: i32) -> (i32, i32) {
    %c0_i32 = arith.constant 0 : i32
    %c0_i32_0 = arith.constant 0 : i32
    return %arg0, %c0_i32 : i32, i32
  }
  func.func @transform_1(%arg0: i32) -> (i32, i32, i32) {
    %c0_i32 = arith.constant 0 : i32
    %c0_i32_0 = arith.constant 0 : i32
    %c0_i32_1 = arith.constant 0 : i32
    return %c0_i32, %arg0, %c0_i32_0 : i32, i32, i32
  }
  func.func @transform_2(%arg0: i32) -> (i32, i32) {
    %c0_i32 = arith.constant 0 : i32
    %c0_i32_0 = arith.constant 0 : i32
    return %arg0, %c0_i32 : i32, i32
  }
  func.func @transform_3(%arg0: i32) -> (i32, i32) {
    %c0_i32 = arith.constant 0 : i32
    %c0_i32_0 = arith.constant 0 : i32
    return %arg0, %c0_i32 : i32, i32
  }
}

module attributes {stable_mosaic.version = 14 : i64} {
  func.func @_mid_body(%arg0: i32, %arg1: memref<2x2000x128xf32, #tpu.memory_space<vmem>>, %arg2: memref<2000x128xf32, #tpu.memory_space<vmem>>, %arg3: memref<2000x8xf32, #tpu.memory_space<vmem>>, %arg4: memref<1x128xf32, #tpu.memory_space<vmem>>, %arg5: memref<128x128xf32, #tpu.memory_space<vmem>>, %arg6: memref<2000x128xf32, #tpu.memory_space<vmem>>) attributes {dimension_semantics = [#tpu.dimension_semantics<arbitrary>], iteration_bounds = array<i64: 5>, scalar_prefetch = 0 : i64, scratch_operands = 0 : i64, tpu.core_type = #tpu.core_type<tc>, window_params = [{transform_indices = @transform_0, window_bounds = array<i64: 2, 2000, 128>}, {transform_indices = @transform_1, window_bounds = array<i64: 2000, 128>}, {transform_indices = @transform_2, window_bounds = array<i64: 2000, 8>}, {pipeline_mode = #tpu.pipeline_mode<synchronous>, transform_indices = @transform_3, window_bounds = array<i64: 1, 128>}, {pipeline_mode = #tpu.pipeline_mode<synchronous>, transform_indices = @transform_4, window_bounds = array<i64: 128, 128>}, {transform_indices = @transform_5, window_bounds = array<i64: 2000, 128>}]} {
    %get3A = arith.constant 0 : index
    %get3A_0 = arith.constant 0 : index
    %get3A_1 = vector.load %arg3[%get3A, %get3A_0] : memref<2000x8xf32, #tpu.memory_space<vmem>>, vector<2000x1xf32>
    %get3A_2 = arith.constant 0 : index
    %get3A_3 = arith.constant 0 : index
    %get3A_4 = arith.constant 0 : index
    %get3A_5 = vector.load %arg1[%get3A_2, %get3A_3, %get3A_4] : memref<2x2000x128xf32, #tpu.memory_space<vmem>>, vector<1x2000x128xf32>
    %get3A_6 = vector.shape_cast %get3A_5 : vector<1x2000x128xf32> to vector<2000x128xf32>
    %get3A_7 = arith.constant 1 : index
    %get3A_8 = arith.constant 0 : index
    %get3A_9 = arith.constant 0 : index
    %get3A_10 = vector.load %arg1[%get3A_7, %get3A_8, %get3A_9] : memref<2x2000x128xf32, #tpu.memory_space<vmem>>, vector<1x2000x128xf32>
    %get3A_11 = vector.shape_cast %get3A_10 : vector<1x2000x128xf32> to vector<2000x128xf32>
    %add3A = arith.addf %get3A_6, %get3A_11 : vector<2000x128xf32>
    %get3A_12 = arith.constant 0 : index
    %get3A_13 = arith.constant 0 : index
    %get3A_14 = vector.load %arg2[%get3A_12, %get3A_13] : memref<2000x128xf32, #tpu.memory_space<vmem>>, vector<2000x128xf32>
    %add3A_15 = arith.addf %add3A, %get3A_14 : vector<2000x128xf32>
    %mul3A = vector.broadcast %get3A_1 : vector<2000x1xf32> to vector<2000x128xf32>
    %mul3A_16 = arith.mulf %mul3A, %add3A_15 : vector<2000x128xf32>
    %get3A_17 = arith.constant 0 : index
    %get3A_18 = arith.constant 0 : index
    %get3A_19 = vector.load %arg4[%get3A_17, %get3A_18] : memref<1x128xf32, #tpu.memory_space<vmem>>, vector<1x128xf32>
    %add3A_20 = vector.broadcast %get3A_19 : vector<1x128xf32> to vector<2000x128xf32>
    %add3A_21 = arith.addf %mul3A_16, %add3A_20 : vector<2000x128xf32>
    %max3A = arith.constant 0.000000e+00 : f32
    %max3A_22 = vector.broadcast %max3A : f32 to vector<2000x128xf32>
    %max3A_23 = arith.maximumf %add3A_21, %max3A_22 : vector<2000x128xf32>
    %get3A_24 = arith.constant 0 : index
    %get3A_25 = arith.constant 0 : index
    %get3A_26 = vector.load %arg5[%get3A_24, %get3A_25] : memref<128x128xf32, #tpu.memory_space<vmem>>, vector<128x128xf32>
    %dot_general3A = arith.constant dense<0.000000e+00> : vector<2000x128xf32>
    %dot_general3A_27 = tpu.matmul %max3A_23, %get3A_26, %dot_general3A {dimension_numbers = #tpu.dot_dimension_numbers<[1], [0], [0], [1], [0, 0, 1, 1], [], []>, transpose_lhs_hint = false} : vector<2000x128xf32>, vector<128x128xf32>, vector<2000x128xf32> -> vector<2000x128xf32>
    %mul3A_28 = vector.broadcast %get3A_1 : vector<2000x1xf32> to vector<2000x128xf32>
    %mul3A_29 = arith.mulf %dot_general3A_27, %mul3A_28 : vector<2000x128xf32>
    %swap3A = arith.constant 0 : index
    %swap3A_30 = arith.constant 0 : index
    %swap3A_31 = vector.load %arg6[%swap3A, %swap3A_30] : memref<2000x128xf32, #tpu.memory_space<vmem>>, vector<2000x128xf32>
    tpu.vector_store %arg6[%swap3A, %swap3A_30], %mul3A_29 {strides = array<i32>} : memref<2000x128xf32, #tpu.memory_space<vmem>>, vector<2000x128xf32>,
    return
  }
  func.func @transform_0(%arg0: i32) -> (i32, i32, i32) {
    %c0_i32 = arith.constant 0 : i32
    %c0_i32_0 = arith.constant 0 : i32
    %c0_i32_1 = arith.constant 0 : i32
    return %c0_i32, %arg0, %c0_i32_0 : i32, i32, i32
  }
  func.func @transform_1(%arg0: i32) -> (i32, i32) {
    %c0_i32 = arith.constant 0 : i32
    %c0_i32_0 = arith.constant 0 : i32
    return %arg0, %c0_i32 : i32, i32
  }
  func.func @transform_2(%arg0: i32) -> (i32, i32) {
    %c0_i32 = arith.constant 0 : i32
    %c0_i32_0 = arith.constant 0 : i32
    return %arg0, %c0_i32 : i32, i32
  }
  func.func @transform_3(%arg0: i32) -> (i32, i32) {
    %c0_i32 = arith.constant 0 : i32
    %c0_i32_0 = arith.constant 0 : i32
    %c0_i32_1 = arith.constant 0 : i32
    return %c0_i32, %c0_i32_0 : i32, i32
  }
  func.func @transform_4(%arg0: i32) -> (i32, i32) {
    %c0_i32 = arith.constant 0 : i32
    %c0_i32_0 = arith.constant 0 : i32
    %c0_i32_1 = arith.constant 0 : i32
    return %c0_i32, %c0_i32_0 : i32, i32
  }
  func.func @transform_5(%arg0: i32) -> (i32, i32) {
    %c0_i32 = arith.constant 0 : i32
    %c0_i32_0 = arith.constant 0 : i32
    return %arg0, %c0_i32 : i32, i32
  }
}

module attributes {stable_mosaic.version = 14 : i64} {
  func.func @_loss_body(%arg0: i32, %arg1: memref<2x2000x128xf32, #tpu.memory_space<vmem>>, %arg2: memref<2000x128xf32, #tpu.memory_space<vmem>>, %arg3: memref<2000x8xf32, #tpu.memory_space<vmem>>, %arg4: memref<2000x1xi32, #tpu.memory_space<vmem>>, %arg5: memref<1x128xf32, #tpu.memory_space<vmem>>, %arg6: memref<128x128xf32, #tpu.memory_space<vmem>>, %arg7: memref<1x128xf32, #tpu.memory_space<vmem>>, %arg8: memref<128x128xf32, #tpu.memory_space<vmem>>, %arg9: memref<1x128xf32, #tpu.memory_space<vmem>>, %arg10: memref<128x128xf32, #tpu.memory_space<vmem>>, %arg11: memref<1x128xf32, #tpu.memory_space<vmem>>, %arg12: memref<128x128xf32, #tpu.memory_space<vmem>>, %arg13: memref<1x128xf32, #tpu.memory_space<vmem>>, %arg14: memref<1x1xf32, #tpu.memory_space<vmem>>, %arg15: memref<1x1xf32, #tpu.memory_space<vmem>>) attributes {dimension_semantics = [#tpu.dimension_semantics<arbitrary>], iteration_bounds = array<i64: 5>, scalar_prefetch = 0 : i64, scratch_operands = 0 : i64, tpu.core_type = #tpu.core_type<tc>, window_params = [{transform_indices = @transform_0, window_bounds = array<i64: 2, 2000, 128>}, {transform_indices = @transform_1, window_bounds = array<i64: 2000, 128>}, {transform_indices = @transform_2, window_bounds = array<i64: 2000, 8>}, {transform_indices = @transform_3, window_bounds = array<i64: 2000, 1>}, {pipeline_mode = #tpu.pipeline_mode<synchronous>, transform_indices = @transform_4, window_bounds = array<i64: 1, 128>}, {pipeline_mode = #tpu.pipeline_mode<synchronous>, transform_indices = @transform_5, window_bounds = array<i64: 128, 128>}, {pipeline_mode = #tpu.pipeline_mode<synchronous>, transform_indices = @transform_6, window_bounds = array<i64: 1, 128>}, {pipeline_mode = #tpu.pipeline_mode<synchronous>, transform_indices = @transform_7, window_bounds = array<i64: 128, 128>}, {pipeline_mode = #tpu.pipeline_mode<synchronous>, transform_indices = @transform_8, window_bounds = array<i64: 1, 128>}, {pipeline_mode = #tpu.pipeline_mode<synchronous>, transform_indices = @transform_9, window_bounds = array<i64: 128, 128>}, {pipeline_mode = #tpu.pipeline_mode<synchronous>, transform_indices = @transform_10, window_bounds = array<i64: 1, 128>}, {pipeline_mode = #tpu.pipeline_mode<synchronous>, transform_indices = @transform_11, window_bounds = array<i64: 128, 128>}, {pipeline_mode = #tpu.pipeline_mode<synchronous>, transform_indices = @transform_12, window_bounds = array<i64: 1, 128>}, {pipeline_mode = #tpu.pipeline_mode<synchronous>, transform_indices = @transform_13, window_bounds = array<i64: 1, 1>}, {pipeline_mode = #tpu.pipeline_mode<synchronous>, transform_indices = @transform_14, window_bounds = array<i64: 1, 1>}]} {
    %get3A = arith.constant 0 : index
    %get3A_0 = arith.constant 0 : index
    %get3A_1 = vector.load %arg3[%get3A, %get3A_0] : memref<2000x8xf32, #tpu.memory_space<vmem>>, vector<2000x1xf32>
    %get3A_2 = arith.constant 0 : index
    %get3A_3 = arith.constant 0 : index
    %get3A_4 = arith.constant 0 : index
    %get3A_5 = vector.load %arg1[%get3A_2, %get3A_3, %get3A_4] : memref<2x2000x128xf32, #tpu.memory_space<vmem>>, vector<1x2000x128xf32>
    %get3A_6 = vector.shape_cast %get3A_5 : vector<1x2000x128xf32> to vector<2000x128xf32>
    %get3A_7 = arith.constant 1 : index
    %get3A_8 = arith.constant 0 : index
    %get3A_9 = arith.constant 0 : index
    %get3A_10 = vector.load %arg1[%get3A_7, %get3A_8, %get3A_9] : memref<2x2000x128xf32, #tpu.memory_space<vmem>>, vector<1x2000x128xf32>
    %get3A_11 = vector.shape_cast %get3A_10 : vector<1x2000x128xf32> to vector<2000x128xf32>
    %add3A = arith.addf %get3A_6, %get3A_11 : vector<2000x128xf32>
    %get3A_12 = arith.constant 0 : index
    %get3A_13 = arith.constant 0 : index
    %get3A_14 = vector.load %arg2[%get3A_12, %get3A_13] : memref<2000x128xf32, #tpu.memory_space<vmem>>, vector<2000x128xf32>
    %add3A_15 = arith.addf %add3A, %get3A_14 : vector<2000x128xf32>
    %mul3A = vector.broadcast %get3A_1 : vector<2000x1xf32> to vector<2000x128xf32>
    %mul3A_16 = arith.mulf %mul3A, %add3A_15 : vector<2000x128xf32>
    %get3A_17 = arith.constant 0 : index
    %get3A_18 = arith.constant 0 : index
    %get3A_19 = vector.load %arg5[%get3A_17, %get3A_18] : memref<1x128xf32, #tpu.memory_space<vmem>>, vector<1x128xf32>
    %add3A_20 = vector.broadcast %get3A_19 : vector<1x128xf32> to vector<2000x128xf32>
    %add3A_21 = arith.addf %mul3A_16, %add3A_20 : vector<2000x128xf32>
    %iota3A = tpu.iota {dimensions = array<i32: 1>} : vector<1x128xi32>
    %get3A_22 = arith.constant 0 : index
    %get3A_23 = arith.constant 0 : index
    %get3A_24 = vector.load %arg6[%get3A_22, %get3A_23] : memref<128x128xf32, #tpu.memory_space<vmem>>, vector<128x128xf32>
    %dot_general3A = arith.constant dense<0.000000e+00> : vector<2000x128xf32>
    %dot_general3A_25 = tpu.matmul %add3A_21, %get3A_24, %dot_general3A {dimension_numbers = #tpu.dot_dimension_numbers<[1], [0], [0], [1], [0, 0, 1, 1], [], []>, transpose_lhs_hint = false} : vector<2000x128xf32>, vector<128x128xf32>, vector<2000x128xf32> -> vector<2000x128xf32>
    %get3A_26 = arith.constant 0 : index
    %get3A_27 = arith.constant 0 : index
    %get3A_28 = vector.load %arg7[%get3A_26, %get3A_27] : memref<1x128xf32, #tpu.memory_space<vmem>>, vector<1x128xf32>
    %add3A_29 = vector.broadcast %get3A_28 : vector<1x128xf32> to vector<2000x128xf32>
    %add3A_30 = arith.addf %dot_general3A_25, %add3A_29 : vector<2000x128xf32>
    %max3A = arith.constant 0.000000e+00 : f32
    %max3A_31 = vector.broadcast %max3A : f32 to vector<2000x128xf32>
    %max3A_32 = arith.maximumf %add3A_30, %max3A_31 : vector<2000x128xf32>
    %get3A_33 = arith.constant 0 : index
    %get3A_34 = arith.constant 0 : index
    %get3A_35 = vector.load %arg8[%get3A_33, %get3A_34] : memref<128x128xf32, #tpu.memory_space<vmem>>, vector<128x128xf32>
    %dot_general3A_36 = arith.constant dense<0.000000e+00> : vector<2000x128xf32>
    %dot_general3A_37 = tpu.matmul %max3A_32, %get3A_35, %dot_general3A_36 {dimension_numbers = #tpu.dot_dimension_numbers<[1], [0], [0], [1], [0, 0, 1, 1], [], []>, transpose_lhs_hint = false} : vector<2000x128xf32>, vector<128x128xf32>, vector<2000x128xf32> -> vector<2000x128xf32>
    %get3A_38 = arith.constant 0 : index
    %get3A_39 = arith.constant 0 : index
    %get3A_40 = vector.load %arg9[%get3A_38, %get3A_39] : memref<1x128xf32, #tpu.memory_space<vmem>>, vector<1x128xf32>
    %add3A_41 = vector.broadcast %get3A_40 : vector<1x128xf32> to vector<2000x128xf32>
    %add3A_42 = arith.addf %dot_general3A_37, %add3A_41 : vector<2000x128xf32>
    %lt3A = arith.constant 5 : i32
    %lt3A_43 = vector.broadcast %lt3A : i32 to vector<1x128xi32>
    %lt3A_44 = arith.cmpi slt, %iota3A, %lt3A_43 : vector<1x128xi32>
    %jit3A = arith.constant -1.000000e+30 : f32
    %broadcast_in_dim3A = vector.shape_cast %lt3A_44 : vector<1x128xi1> to vector<1x128xi1>
    %broadcast_in_dim3A_45 = vector.broadcast %broadcast_in_dim3A : vector<1x128xi1> to vector<2000x128xi1>
    %broadcast_in_dim3A_46 = vector.broadcast %jit3A : f32 to vector<2000x128xf32>
    %select_n3A = arith.select %broadcast_in_dim3A_45, %add3A_42, %broadcast_in_dim3A_46 : vector<2000x128xi1>, vector<2000x128xf32>
    %reduce_max3A = arith.constant dense<0xFF800000> : vector<2000xf32>
    %reduce_max3A_47 = vector.multi_reduction <maximumf>, %select_n3A, %reduce_max3A [1] : vector<2000x128xf32> to vector<2000xf32>
    %broadcast_in_dim3A_48 = vector.shape_cast %reduce_max3A_47 : vector<2000xf32> to vector<2000x1xf32>
    %sub3A = vector.broadcast %broadcast_in_dim3A_48 : vector<2000x1xf32> to vector<2000x128xf32>
    %sub3A_49 = arith.subf %select_n3A, %sub3A : vector<2000x128xf32>
    %exp3A = math.exp %sub3A_49 : vector<2000x128xf32>
    %reduce_sum3A = arith.constant dense<0.000000e+00> : vector<2000xf32>
    %reduce_sum3A_50 = vector.multi_reduction <add>, %exp3A, %reduce_sum3A [1] : vector<2000x128xf32> to vector<2000xf32>
    %broadcast_in_dim3A_51 = vector.shape_cast %reduce_sum3A_50 : vector<2000xf32> to vector<2000x1xf32>
    %log3A = math.log %broadcast_in_dim3A_51 : vector<2000x1xf32>
    %add3A_52 = arith.addf %broadcast_in_dim3A_48, %log3A : vector<2000x1xf32>
    %get3A_53 = arith.constant 0 : index
    %get3A_54 = arith.constant 0 : index
    %get3A_55 = vector.load %arg4[%get3A_53, %get3A_54] : memref<2000x1xi32, #tpu.memory_space<vmem>>, vector<2000x1xi32>
    %eq3A = vector.broadcast %iota3A : vector<1x128xi32> to vector<2000x128xi32>
    %eq3A_56 = vector.broadcast %get3A_55 : vector<2000x1xi32> to vector<2000x128xi32>
    %eq3A_57 = arith.cmpi eq, %eq3A, %eq3A_56 : vector<2000x128xi32>
    %jit3A_58 = arith.constant 0.000000e+00 : f32
    %broadcast_in_dim3A_59 = vector.broadcast %jit3A_58 : f32 to vector<2000x128xf32>
    %select_n3A_60 = arith.select %eq3A_57, %add3A_42, %broadcast_in_dim3A_59 : vector<2000x128xi1>, vector<2000x128xf32>
    %reduce_sum3A_61 = arith.constant dense<0.000000e+00> : vector<2000xf32>
    %reduce_sum3A_62 = vector.multi_reduction <add>, %select_n3A_60, %reduce_sum3A_61 [1] : vector<2000x128xf32> to vector<2000xf32>
    %broadcast_in_dim3A_63 = vector.shape_cast %reduce_sum3A_62 : vector<2000xf32> to vector<2000x1xf32>
    %sub3A_64 = arith.subf %add3A_52, %broadcast_in_dim3A_63 : vector<2000x1xf32>
    %reduce_sum3A_65 = vector.shape_cast %sub3A_64 : vector<2000x1xf32> to vector<1x2000x1xf32>
    %reduce_sum3A_66 = arith.constant dense<0.000000e+00> : vector<1xf32>
    %reduce_sum3A_67 = vector.multi_reduction <add>, %reduce_sum3A_65, %reduce_sum3A_66 [1, 2] : vector<1x2000x1xf32> to vector<1xf32>
    %reduce_sum3A_68 = vector.shape_cast %reduce_sum3A_67 : vector<1xf32> to vector<1x1x1xf32>
    %reduce_sum3A_69 = vector.extract %reduce_sum3A_68[0, 0, 0] : f32 from vector<1x1x1xf32>
    %mul3A_70 = arith.constant 9.99999974E-5 : f32
    %mul3A_71 = arith.mulf %reduce_sum3A_69, %mul3A_70 : f32
    %get3A_72 = arith.constant 0 : index
    %get3A_73 = arith.constant 0 : index
    %get3A_74 = vector.load %arg10[%get3A_72, %get3A_73] : memref<128x128xf32, #tpu.memory_space<vmem>>, vector<128x128xf32>
    %dot_general3A_75 = arith.constant dense<0.000000e+00> : vector<2000x128xf32>
    %dot_general3A_76 = tpu.matmul %add3A_21, %get3A_74, %dot_general3A_75 {dimension_numbers = #tpu.dot_dimension_numbers<[1], [0], [0], [1], [0, 0, 1, 1], [], []>, transpose_lhs_hint = false} : vector<2000x128xf32>, vector<128x128xf32>, vector<2000x128xf32> -> vector<2000x128xf32>
    %get3A_77 = arith.constant 0 : index
    %get3A_78 = arith.constant 0 : index
    %get3A_79 = vector.load %arg11[%get3A_77, %get3A_78] : memref<1x128xf32, #tpu.memory_space<vmem>>, vector<1x128xf32>
    %add3A_80 = vector.broadcast %get3A_79 : vector<1x128xf32> to vector<2000x128xf32>
    %add3A_81 = arith.addf %dot_general3A_76, %add3A_80 : vector<2000x128xf32>
    %max3A_82 = arith.constant 0.000000e+00 : f32
    %max3A_83 = vector.broadcast %max3A_82 : f32 to vector<2000x128xf32>
    %max3A_84 = arith.maximumf %add3A_81, %max3A_83 : vector<2000x128xf32>
    %get3A_85 = arith.constant 0 : index
    %get3A_86 = arith.constant 0 : index
    %get3A_87 = vector.load %arg12[%get3A_85, %get3A_86] : memref<128x128xf32, #tpu.memory_space<vmem>>, vector<128x128xf32>
    %dot_general3A_88 = arith.constant dense<0.000000e+00> : vector<2000x128xf32>
    %dot_general3A_89 = tpu.matmul %max3A_84, %get3A_87, %dot_general3A_88 {dimension_numbers = #tpu.dot_dimension_numbers<[1], [0], [0], [1], [0, 0, 1, 1], [], []>, transpose_lhs_hint = false} : vector<2000x128xf32>, vector<128x128xf32>, vector<2000x128xf32> -> vector<2000x128xf32>
    %get3A_90 = arith.constant 0 : index
    %get3A_91 = arith.constant 0 : index
    %get3A_92 = vector.load %arg13[%get3A_90, %get3A_91] : memref<1x128xf32, #tpu.memory_space<vmem>>, vector<1x128xf32>
    %add3A_93 = vector.broadcast %get3A_92 : vector<1x128xf32> to vector<2000x128xf32>
    %add3A_94 = arith.addf %dot_general3A_89, %add3A_93 : vector<2000x128xf32>
    %lt3A_95 = arith.constant 2 : i32
    %lt3A_96 = vector.broadcast %lt3A_95 : i32 to vector<1x128xi32>
    %lt3A_97 = arith.cmpi slt, %iota3A, %lt3A_96 : vector<1x128xi32>
    %jit3A_98 = arith.constant -1.000000e+30 : f32
    %broadcast_in_dim3A_99 = vector.shape_cast %lt3A_97 : vector<1x128xi1> to vector<1x128xi1>
    %broadcast_in_dim3A_100 = vector.broadcast %broadcast_in_dim3A_99 : vector<1x128xi1> to vector<2000x128xi1>
    %broadcast_in_dim3A_101 = vector.broadcast %jit3A_98 : f32 to vector<2000x128xf32>
    %select_n3A_102 = arith.select %broadcast_in_dim3A_100, %add3A_94, %broadcast_in_dim3A_101 : vector<2000x128xi1>, vector<2000x128xf32>
    %reduce_max3A_103 = arith.constant dense<0xFF800000> : vector<2000xf32>
    %reduce_max3A_104 = vector.multi_reduction <maximumf>, %select_n3A_102, %reduce_max3A_103 [1] : vector<2000x128xf32> to vector<2000xf32>
    %broadcast_in_dim3A_105 = vector.shape_cast %reduce_max3A_104 : vector<2000xf32> to vector<2000x1xf32>
    %sub3A_106 = vector.broadcast %broadcast_in_dim3A_105 : vector<2000x1xf32> to vector<2000x128xf32>
    %sub3A_107 = arith.subf %select_n3A_102, %sub3A_106 : vector<2000x128xf32>
    %exp3A_108 = math.exp %sub3A_107 : vector<2000x128xf32>
    %reduce_sum3A_109 = arith.constant dense<0.000000e+00> : vector<2000xf32>
    %reduce_sum3A_110 = vector.multi_reduction <add>, %exp3A_108, %reduce_sum3A_109 [1] : vector<2000x128xf32> to vector<2000xf32>
    %broadcast_in_dim3A_111 = vector.shape_cast %reduce_sum3A_110 : vector<2000xf32> to vector<2000x1xf32>
    %log3A_112 = math.log %broadcast_in_dim3A_111 : vector<2000x1xf32>
    %add3A_113 = arith.addf %broadcast_in_dim3A_105, %log3A_112 : vector<2000x1xf32>
    %get3A_114 = arith.constant 0 : index
    %get3A_115 = arith.constant 1 : index
    %get3A_116 = vector.load %arg3[%get3A_114, %get3A_115] : memref<2000x8xf32, #tpu.memory_space<vmem>>, vector<2000x1xf32>
    %get3A_117 = arith.constant 0 : index
    %get3A_118 = arith.constant 2 : index
    %get3A_119 = vector.load %arg3[%get3A_117, %get3A_118] : memref<2000x8xf32, #tpu.memory_space<vmem>>, vector<2000x1xf32>
    %add3A_120 = arith.addf %get3A_116, %get3A_119 : vector<2000x1xf32>
    %mul3A_121 = arith.mulf %add3A_120, %add3A_113 : vector<2000x1xf32>
    %slice3A = vector.extract_strided_slice %add3A_94 {offsets = [0, 0], sizes = [2000, 1], strides = [1, 1]} : vector<2000x128xf32> to vector<2000x1xf32>
    %mul3A_122 = arith.mulf %get3A_116, %slice3A : vector<2000x1xf32>
    %sub3A_123 = arith.subf %mul3A_121, %mul3A_122 : vector<2000x1xf32>
    %slice3A_124 = vector.extract_strided_slice %add3A_94 {offsets = [0, 1], sizes = [2000, 1], strides = [1, 1]} : vector<2000x128xf32> to vector<2000x1xf32>
    %mul3A_125 = arith.mulf %get3A_119, %slice3A_124 : vector<2000x1xf32>
    %sub3A_126 = arith.subf %sub3A_123, %mul3A_125 : vector<2000x1xf32>
    %reduce_sum3A_127 = vector.shape_cast %sub3A_126 : vector<2000x1xf32> to vector<1x2000x1xf32>
    %reduce_sum3A_128 = arith.constant dense<0.000000e+00> : vector<1xf32>
    %reduce_sum3A_129 = vector.multi_reduction <add>, %reduce_sum3A_127, %reduce_sum3A_128 [1, 2] : vector<1x2000x1xf32> to vector<1xf32>
    %reduce_sum3A_130 = vector.shape_cast %reduce_sum3A_129 : vector<1xf32> to vector<1x1x1xf32>
    %reduce_sum3A_131 = vector.extract %reduce_sum3A_130[0, 0, 0] : f32 from vector<1x1x1xf32>
    %mul3A_132 = arith.constant 2.000000e-04 : f32
    %mul3A_133 = arith.mulf %reduce_sum3A_131, %mul3A_132 : f32
    %eq3A_134 = arith.constant 0 : i32
    %eq3A_135 = arith.cmpi eq, %arg0, %eq3A_134 : i32
    %convert_element_type3A = arith.extui %eq3A_135 : i1 to i32
    %cond3A = arith.constant 0 : i32
    %cond3A_136 = arith.cmpi ne, %convert_element_type3A, %cond3A : i32
    scf.if %cond3A_136 {
      %broadcast_in_dim3A_151 = arith.constant 0.000000e+00 : f32
      %broadcast_in_dim3A_152 = vector.broadcast %broadcast_in_dim3A_151 : f32 to vector<1x1xf32>
      %swap3A_153 = arith.constant 0 : index
      %swap3A_154 = arith.constant 0 : index
      %swap3A_155 = vector.load %arg14[%swap3A_153, %swap3A_154] : memref<1x1xf32, #tpu.memory_space<vmem>>, vector<1x1xf32>
      tpu.vector_store %arg14[%swap3A_153, %swap3A_154], %broadcast_in_dim3A_152 {strides = array<i32>} : memref<1x1xf32, #tpu.memory_space<vmem>>, vector<1x1xf32>,
      %broadcast_in_dim3A_156 = arith.constant 0.000000e+00 : f32
      %broadcast_in_dim3A_157 = vector.broadcast %broadcast_in_dim3A_156 : f32 to vector<1x1xf32>
      %swap3A_158 = arith.constant 0 : index
      %swap3A_159 = arith.constant 0 : index
      %swap3A_160 = vector.load %arg15[%swap3A_158, %swap3A_159] : memref<1x1xf32, #tpu.memory_space<vmem>>, vector<1x1xf32>
      tpu.vector_store %arg15[%swap3A_158, %swap3A_159], %broadcast_in_dim3A_157 {strides = array<i32>} : memref<1x1xf32, #tpu.memory_space<vmem>>, vector<1x1xf32>,
    } else {
    }
    %get3A_137 = arith.constant 0 : index
    %get3A_138 = arith.constant 0 : index
    %get3A_139 = vector.load %arg14[%get3A_137, %get3A_138] : memref<1x1xf32, #tpu.memory_space<vmem>>, vector<1x1xf32>
    %reshape3A = vector.broadcast %mul3A_133 : f32 to vector<1x1xf32>
    %add3A_140 = arith.addf %get3A_139, %reshape3A : vector<1x1xf32>
    %swap3A = arith.constant 0 : index
    %swap3A_141 = arith.constant 0 : index
    %swap3A_142 = vector.load %arg14[%swap3A, %swap3A_141] : memref<1x1xf32, #tpu.memory_space<vmem>>, vector<1x1xf32>
    tpu.vector_store %arg14[%swap3A, %swap3A_141], %add3A_140 {strides = array<i32>} : memref<1x1xf32, #tpu.memory_space<vmem>>, vector<1x1xf32>,
    %get3A_143 = arith.constant 0 : index
    %get3A_144 = arith.constant 0 : index
    %get3A_145 = vector.load %arg15[%get3A_143, %get3A_144] : memref<1x1xf32, #tpu.memory_space<vmem>>, vector<1x1xf32>
    %reshape3A_146 = vector.broadcast %mul3A_71 : f32 to vector<1x1xf32>
    %add3A_147 = arith.addf %get3A_145, %reshape3A_146 : vector<1x1xf32>
    %swap3A_148 = arith.constant 0 : index
    %swap3A_149 = arith.constant 0 : index
    %swap3A_150 = vector.load %arg15[%swap3A_148, %swap3A_149] : memref<1x1xf32, #tpu.memory_space<vmem>>, vector<1x1xf32>
    tpu.vector_store %arg15[%swap3A_148, %swap3A_149], %add3A_147 {strides = array<i32>} : memref<1x1xf32, #tpu.memory_space<vmem>>, vector<1x1xf32>,
    return
  }
  func.func @transform_0(%arg0: i32) -> (i32, i32, i32) {
    %c0_i32 = arith.constant 0 : i32
    %c0_i32_0 = arith.constant 0 : i32
    %c0_i32_1 = arith.constant 0 : i32
    return %c0_i32, %arg0, %c0_i32_0 : i32, i32, i32
  }
  func.func @transform_1(%arg0: i32) -> (i32, i32) {
    %c0_i32 = arith.constant 0 : i32
    %c0_i32_0 = arith.constant 0 : i32
    return %arg0, %c0_i32 : i32, i32
  }
  func.func @transform_2(%arg0: i32) -> (i32, i32) {
    %c0_i32 = arith.constant 0 : i32
    %c0_i32_0 = arith.constant 0 : i32
    return %arg0, %c0_i32 : i32, i32
  }
  func.func @transform_3(%arg0: i32) -> (i32, i32) {
    %c0_i32 = arith.constant 0 : i32
    %c0_i32_0 = arith.constant 0 : i32
    return %arg0, %c0_i32 : i32, i32
  }
  func.func @transform_4(%arg0: i32) -> (i32, i32) {
    %c0_i32 = arith.constant 0 : i32
    %c0_i32_0 = arith.constant 0 : i32
    %c0_i32_1 = arith.constant 0 : i32
    return %c0_i32, %c0_i32_0 : i32, i32
  }
  func.func @transform_5(%arg0: i32) -> (i32, i32) {
    %c0_i32 = arith.constant 0 : i32
    %c0_i32_0 = arith.constant 0 : i32
    %c0_i32_1 = arith.constant 0 : i32
    return %c0_i32, %c0_i32_0 : i32, i32
  }
  func.func @transform_6(%arg0: i32) -> (i32, i32) {
    %c0_i32 = arith.constant 0 : i32
    %c0_i32_0 = arith.constant 0 : i32
    %c0_i32_1 = arith.constant 0 : i32
    return %c0_i32, %c0_i32_0 : i32, i32
  }
  func.func @transform_7(%arg0: i32) -> (i32, i32) {
    %c0_i32 = arith.constant 0 : i32
    %c0_i32_0 = arith.constant 0 : i32
    %c0_i32_1 = arith.constant 0 : i32
    return %c0_i32, %c0_i32_0 : i32, i32
  }
  func.func @transform_8(%arg0: i32) -> (i32, i32) {
    %c0_i32 = arith.constant 0 : i32
    %c0_i32_0 = arith.constant 0 : i32
    %c0_i32_1 = arith.constant 0 : i32
    return %c0_i32, %c0_i32_0 : i32, i32
  }
  func.func @transform_9(%arg0: i32) -> (i32, i32) {
    %c0_i32 = arith.constant 0 : i32
    %c0_i32_0 = arith.constant 0 : i32
    %c0_i32_1 = arith.constant 0 : i32
    return %c0_i32, %c0_i32_0 : i32, i32
  }
  func.func @transform_10(%arg0: i32) -> (i32, i32) {
    %c0_i32 = arith.constant 0 : i32
    %c0_i32_0 = arith.constant 0 : i32
    %c0_i32_1 = arith.constant 0 : i32
    return %c0_i32, %c0_i32_0 : i32, i32
  }
  func.func @transform_11(%arg0: i32) -> (i32, i32) {
    %c0_i32 = arith.constant 0 : i32
    %c0_i32_0 = arith.constant 0 : i32
    %c0_i32_1 = arith.constant 0 : i32
    return %c0_i32, %c0_i32_0 : i32, i32
  }
  func.func @transform_12(%arg0: i32) -> (i32, i32) {
    %c0_i32 = arith.constant 0 : i32
    %c0_i32_0 = arith.constant 0 : i32
    %c0_i32_1 = arith.constant 0 : i32
    return %c0_i32, %c0_i32_0 : i32, i32
  }
  func.func @transform_13(%arg0: i32) -> (i32, i32) {
    %c0_i32 = arith.constant 0 : i32
    %c0_i32_0 = arith.constant 0 : i32
    %c0_i32_1 = arith.constant 0 : i32
    return %c0_i32, %c0_i32_0 : i32, i32
  }
  func.func @transform_14(%arg0: i32) -> (i32, i32) {
    %c0_i32 = arith.constant 0 : i32
    %c0_i32_0 = arith.constant 0 : i32
    %c0_i32_1 = arith.constant 0 : i32
    return %c0_i32, %c0_i32_0 : i32, i32
  }
}

</mosaic_0001>

<sc_bundles>
// kernel: kernel.12.cloned.1.call-start
scs
__scs_entry_jumppad:
0x0: {  	(pc) =	sbr.rel $0x88, $3  }
0x1: {  	(tag) =	ssettag $0x0;
	lr =	simm.s32 $0x1  }
0x2: {  	[smem:$0x3F90] =	sst lr;
	_ =	strace $0xD0000000  }
0x3: {  	_ = 	snop  }
0x4: {  	_ = 	snop  }
0x5: {  	_ = 	snop  }
0x6: {  	_ = 	snop  }
0x7: {  	_ = 	snop  }
__scs_overlays_trampoline_lowered:
0x8: {  	[smem:$0x3F9F] =	sst s0  }
0x9: {  	[smem:$0x3FA0] =	sst s1  }
0xa: {  	[smem:$0x3FA1] =	sst s2  }
0xb: {  	[smem:$0x3FA2] =	sst s3  }
0xc: {  	[smem:$0x3FA3] =	sst s4  }
0xd: {  	[smem:$0x3FA4] =	sst s5  }
0xe: {  	[smem:$0x3FA5] =	sst s6  }
0xf: {  	[smem:$0x3FA6] =	sst s7  }
0x10: {  	[smem:$0x3FA7] =	sst s8  }
0x11: {  	[smem:$0x3FA8] =	sst s9;
	s0 =	simm.s32 @!p0 $0x0  }
0x12: {  	s1 =	sld [smem:$0x3F8E];
	s0 =	simm.s32 @p0 $0x1  }
0x13: {  	[smem:$0x3FA9] =	sst s0;
	s0 =	simm.s32 @!p1 $0x0  }
0x14: {  	s2 =	sld [smem:$0x3F8D];
	s0 =	simm.s32 @p1 $0x1  }
0x15: {  	[smem:$0x3FAA] =	sst s0;
	s0 =	simm.s32 @!p2 $0x0  }
0x16: {  	s3 =	sld [smem:$0x3FDB];
	s0 =	simm.s32 @p2 $0x1  }
0x17: {  	s4 =	simm.s32 $0x1BF5;
	[smem:$0x3FAC] =	sst s0  }
0x18: {  	s0 =	sld [smem:$0x3F8F];
	_ =	swait.ge [sflag:s4], $0x0  }
0x19: {  	s7 =	sld [smem:$0x3F90]  }
0x1a: {  	s8 =	sadd.s32 $0xFFFFE003, lr  }
0x1b: {  	s9 =	sadd.s32 $0xFFFFFEF7, lr;
	s5 =	simm.s32 $0xFFFFFFFF;
	p2 =	slt.u32 s8, $0xFFFFF086  }
0x1c: {  	p1 =	slt.u32 s9, $0xF7A;
	s5 =	simm.s32 @!p2 $0x0  }
0x1d: {  	s5 =	simm.s32 @p1 $0x1;
	p0 =	seq.s32 s7, s2  }
0x1e: {  	s7 =	smul.u32 @!p0 $0xF7A, s2;
	p2 =	seq.s32 @!p0 s5, $0x0  }
0x1f: {  	s9 =	smul.u32 $0xF7A, s1;
	s8 =	simm.s32 @!p0 $0x1BF5;
	p2 =	por !p2, p0  }
0x20: {  	[sflag:s8] =	ssyncset.s32 @!p0 $0xFFFFF086;
	s6 =	sadd.s32 @!p0 s3, s7;
	s7 =	simm.s32 @!p0 $0x108  }
0x21: {  	s3 =	sadd.s32 s3, s9;
	s6 =	sadd.s32 @!p0 $0x88, s6;
	s7 =	simm.s32 @p2 $0x1082  }
0x22: {  	[simem:s7], [sflag:s8] =	dma.local @!p0 [hbm:s6], $0xF7A  }
0x23: {  	s9 =	sor.u32 $0xD0000000, s2;
	s6 =	simm.s32 $0x108;
	_ =	swait.ge @!p0 [sflag:s8], $0x0  }
0x24: {  	s3 =	sadd.s32 $0x88, s3;
	s6 =	simm.s32 @!p1 $0x1082;
	[sflag:s4] =	ssyncset.s32 $0xFFFFF086  }
0x25: {  	[simem:s6], [sflag:s4] =	dma.local [hbm:s3], $0xF7A  }
0x26: {  	[smem:$0x3F90] =	sst s1;
	(tag) =	ssettag s2;
	_ =	strace s9  }
0x27: {  	s1 =	sld [smem:$0x3FA0]  }
0x28: {  	s2 =	sld [smem:$0x3FA1]  }
0x29: {  	s4 =	sld [smem:$0x3FA3]  }
0x2a: {  	p0 =	seq.s32 s5, $0x0;
	s5 =	sld [smem:$0x3FA4]  }
0x2b: {  	s6 =	sld [smem:$0x3FA5]  }
0x2c: {  	s7 =	sld [smem:$0x3FA6]  }
0x2d: {  	s3 =	simm.s32 $0x108;
	s8 =	sld [smem:$0x3FA7]  }
0x2e: {  	s3 =	simm.s32 @!p0 $0x1082;
	s9 =	sld [smem:$0x3FA8]  }
0x2f: {  	lr =	sadd.s32 s0, s3;
	s0 =	sld [smem:$0x3F9F]  }
0x30: {  	s3 =	sld [smem:$0x3FA2]  }
0x31: {  	[smem:$0x3FAB] =	sst s10  }
0x32: {  	s10 =	sld [smem:$0x3FA9];
	_ =	sdelay $0x3  }
0x33: {  	p0 =	seq.s32 s10, $0x1;
	s10 =	sld [smem:$0x3FAB];
	_ =	sdelay $0x3  }
0x34: {  	[smem:$0x3FAB] =	sst s10  }
0x35: {  	s10 =	sld [smem:$0x3FAA];
	_ =	sdelay $0x3  }
0x36: {  	p1 =	seq.s32 s10, $0x1;
	s10 =	sld [smem:$0x3FAB];
	_ =	sdelay $0x3  }
0x37: {  	[smem:$0x3FAB] =	sst s10  }
0x38: {  	s10 =	sld [smem:$0x3FAC]  }
0x39: {  	_ = 	snop;
	(pc) =	sbr.ind lr, $3  }
0x3a: {  	_ = 	snop  }
0x3b: {  	_ = 	snop  }
0x3c: {  	p2 =	seq.s32 s10, $0x1;
	s10 =	sld [smem:$0x3FAB]  }
0x3d: {  	_ =	shalt  }
0x3e: {  	_ =	shalt  }
0x3f: {  	_ =	shalt  }
0x40: {  	_ =	shalt  }
0x41: {  	_ =	shalt  }
0x42: {  	_ =	shalt  }
0x43: {  	_ =	shalt  }
0x44: {  	_ =	shalt  }
0x45: {  	_ =	shalt  }
0x46: {  	_ =	shalt  }
0x47: {  	_ =	shalt  }
0x48: {  	_ =	shalt  }
0x49: {  	_ =	shalt  }
0x4a: {  	_ =	shalt  }
0x4b: {  	_ =	shalt  }
0x4c: {  	_ =	shalt  }
0x4d: {  	_ =	shalt  }
0x4e: {  	_ =	shalt  }
0x4f: {  	_ =	shalt  }
0x50: {  	_ =	shalt  }
0x51: {  	_ =	shalt  }
0x52: {  	_ =	shalt  }
0x53: {  	_ =	shalt  }
0x54: {  	_ =	shalt  }
0x55: {  	_ =	shalt  }
0x56: {  	_ =	shalt  }
0x57: {  	_ =	shalt  }
0x58: {  	_ =	shalt  }
0x59: {  	_ =	shalt  }
0x5a: {  	_ =	shalt  }
0x5b: {  	_ =	shalt  }
0x5c: {  	_ =	shalt  }
0x5d: {  	_ =	shalt  }
0x5e: {  	_ =	shalt  }
0x5f: {  	_ =	shalt  }
0x60: {  	_ =	shalt  }
0x61: {  	_ =	shalt  }
0x62: {  	_ =	shalt  }
0x63: {  	_ =	shalt  }
0x64: {  	_ =	shalt  }
0x65: {  	_ =	shalt  }
0x66: {  	_ =	shalt  }
0x67: {  	_ =	shalt  }
0x68: {  	_ =	shalt  }
0x69: {  	_ =	shalt  }
0x6a: {  	_ =	shalt  }
0x6b: {  	_ =	shalt  }
0x6c: {  	_ =	shalt  }
0x6d: {  	_ =	shalt  }
0x6e: {  	_ =	shalt  }
0x6f: {  	_ =	shalt  }
0x70: {  	_ =	shalt  }
0x71: {  	_ =	shalt  }
0x72: {  	_ =	shalt  }
0x73: {  	_ =	shalt  }
0x74: {  	_ =	shalt  }
0x75: {  	_ =	shalt  }
0x76: {  	_ =	shalt  }
0x77: {  	_ =	shalt  }
0x78: {  	_ =	shalt  }
0x79: {  	_ =	shalt  }
0x7a: {  	_ =	shalt  }
0x7b: {  	_ =	shalt  }
0x7c: {  	_ =	shalt  }
0x7d: {  	_ =	shalt  }
0x7e: {  	_ =	shalt  }
0x7f: {  	_ =	shalt  }
0x80: {  	_ =	shalt  }
0x81: {  	_ =	shalt  }
0x82: {  	_ =	shalt  }
0x83: {  	_ =	shalt  }
0x84: {  	_ =	shalt  }
0x85: {  	_ =	shalt  }
0x86: {  	_ =	shalt  }
0x87: {  	_ =	shalt  }
.Lfunc_end0:
.L_simem_size_0:
called_computation.1_lowered:
.L_overlay_start_0:
0x88: {  	s2 =	sld [smem:$0x3FD9]  }
0x89: {  	s3 =	sld [smem:$0x3FFE];
	_ =	sdelay $0x1  }
0x8a: {  	s1 =	srdreg.scid  }
0x8b: {  	s0 =	sand.u32 $0x1, s1  }
0x8c: {  	s16 =	sshll.u32 s0, $0xA;
	s2 =	sadd.s32 s3, s2  }
0x8d: {  	s2 =	sadd.s32 s2, s16  }
0x8e: {  	[smem:$0x3FB7] =	sst s2  }
0x8f: {  	_ = 	snop  }
0x90: {  	(tm) =	ssettm $0x1  }
0x91: {  	s17 =	sld [smem:$0x3FFB];
	_ =	sdelay $0x3  }
0x92: {  	_ =	strace s17  }
0x93: {  	s2 =	sld [smem:$0x3FFC];
	_ =	sdelay $0x3  }
0x94: {  	_ =	strace s2  }
0x95: {  	s2 =	sld [smem:$0x3FFD];
	_ =	sdelay $0x3  }
0x96: {  	_ =	strace s2  }
0x97: {  	_ =	strace $0x8FFFFFFF  }
0x98: {  	s18 =	sld [smem:$0x3FDB];
	_ =	sdelay $0x1  }
0x99: {  	s19 =	simm.s32 $_scs_section_size  }
0x9a: {  	s4 =	simm.s32 $_size__tile_overlayer_lowered;
	s5 =	simm.s32 $_tile_overlayer_lowered  }
0x9b: {  	s22 =	simm.s32 $0x1BFF;
	s21 =	sshll.u32 s5, $0x1;
	s2 =	sadd.s32 s19, s18  }
0x9c: {  	s6 =	simm.s32 $0x0;
	s20 =	sshll.u32 s4, $0x1;
	s4 =	sadd.s32 s21, s2  }
0x9d: {  	[timem:s6], [sflag:s22] =	dma.local [hbm:s4], s20  }
0x9e: {  	_ =	swait.ge [sflag:s22], s20  }
0x9f: {  	s3 =	ssub.s32 $0x0, s20;
	[sflag:s22] =	ssyncset.done $0x0  }
0xa0: {  	[sflag:s22] =	ssyncadd.s32 s3;
	_ =	sdelay $0x1  }
0xa1: {  	s23 =	simm.s32 $0x1B8B  }
0xa2: {  	_ =	swait.ge [sflag:s23], $0x1  }
0xa3: {  	[sflag:s23] =	ssyncset.done $0x0  }
0xa4: {  	s25 =	simm.s32 $0x1B8E;
	s24 =	sld [smem:$0x3FFE];
	[sflag:s23] =	ssyncadd.s32 $0xFFFFFFFF  }
0xa5: {  	s26 =	simm.s32 $execute0_lowered;
	[smem:$0x3FD2] =	sst s25  }
0xa6: {  	s4 =	sshll.u32 s26, $0x1;
	_ =	strace $0x80000049;
	[dreg:$0x1] =	wrdreg $0xFFFFFFFF  }
0xa7: {  	s28 =	simm.s32 $_size_execute0_lowered;
	s2 =	sadd.s32 s2, s4;
	[dreg:$0x0] =	wrdreg $0x0  }
0xa8: {  	s4 =	sshll.u32 s28, $0x1;
	[dreg:$0x2] =	wrdreg s2  }
0xa9: {  	[dreg:$0x3] =	wrdreg s4  }
0xaa: {  	[dreg:$0x4] =	wrdreg $0xC0  }
0xab: {  	_ =	task [dreg:s6], $0x5FFFF  }
0xac: {  	[dreg:$0x1] =	wrdreg $0xFFFFFFFF  }
0xad: {  	[dreg:$0x0] =	wrdreg $0x60  }
0xae: {  	[dreg:$0x2] =	wrdreg s24  }
0xaf: {  	[dreg:$0x3] =	wrdreg $0xA8000  }
0xb0: {  	[dreg:$0x4] =	wrdreg $0x9  }
0xb1: {  	_ =	task.clear_ibuf [dreg:s6], $0x5FFFF;
	_ =	strace $0x90000049  }
0xb2: {  	s29 =	simm.s32 $0x9;
	_ =	strace $0x8000004B  }
0xb3: {  	_ =	swait.ge [sflag:s29], $0x1  }
0xb4: {  	[sflag:s29] =	ssyncadd.s32 $0xFFFFFFFF  }
0xb5: {  	_ =	strace $0x9000004B  }
0xb6: {  	_ =	sfence  }
0xb7: {  	s30 =	sld [smem:$0x0];
	_ =	sdelay $0x2  }
0xb8: {  	s31 =	sshll.u32 s1, $0xD;
	s1 =	sshrl.u32 s1, $0x2  }
0xb9: {  	s3 =	sand.u32 $0x4000, s31;
	s1 =	sadd.s32 s1, s30  }
0xba: {  	s0 =	sor.u32 s3, s0;
	s1 =	sshll.u32 s1, $0x11  }
0xbb: {  	s0 =	sor.u32 s1, s0  }
0xbc: {  	s0 =	sadd.s32 $0x8F2B, s0  }
0xbd: {  	[sflag:s0] =	ssyncadd.remote.s32 $0x1  }
0xbe: {  	_ =	sfence.sel $0xFFFF  }
0xbf: {  	[dreg:$0x0] =	wrdreg $0xFFFFFFFF;
	(pc) =	sbr.abs _section_cstart, $3  }
0xc0: {  	[dreg:$0x1] =	wrdreg $0xFFFFFFFF  }
0xc1: {  	_ =	task.clear_ibuf [dreg:s6], $0x2FFFF;
	_ =	strace $0x9FFFFFFF  }
0xc2: {  	(tm) =	ssettm $0x7FFFFFFF  }
0xc3: {  	_ =	shalt  }
tec
execute0_lowered:
.L_overlay_start_1:
0x0: {  	(tag) =	ssettag $0x1  }
0x1: {  	s6 =	rddreg [dreg:$0x0]  }
0x2: {  	s1 =	rddreg [dreg:$0x1]  }
0x3: {  	s2 =	srdreg.scid;
	s0 =	rddreg [dreg:$0x2]  }
0x4: {  	s3 =	simm.s32 $0x0;
	s18 =	simm.s32 $0x3;
	s19 =	simm.s32 $0x1400  }
0x5: {  	s20 =	simm.s32 $0x80;
	s21 =	simm.s32 $0x6800;
	s22 =	simm.s32 $0x1  }
0x6: {  	s23 =	simm.s32 $0x2;
	s24 =	simm.s32 $0x2700;
	s25 =	simm.s32 $0x2780  }
0x7: {  	s26 =	simm.s32 $0x0;
	s7 =	sand.u32 $0x1, s2;
	s2 =	stileid.u32  }
0x8: {  	[smem:$0x7FF] =	sst s3;
	s4 =	sadd.s32 $0x38A00, s6;
	s15 =	sadd.s32 $0x2DA00, s6  }
0x9: {  	s16 =	sadd.s32 $0x23A00, s6;
	s5 =	sadd.s32 $0x38200, s6;
	s8 =	smul.u32 $0x140000, s7  }
0xa: {  	s9 =	smul.u32 $0x14000, s2;
	s29 =	ssub.s32 $0x2, s7;
	s7 =	sshll.u32 s7, $0x4  }
0xb: {  	_ =	strace $0x8000004A;
	s10 =	smul.u32 $0x50000, s2;
	s7 =	sor.u32 s2, s7  }
0xc: {  	s30 =	sshrl.u32 s29, $0x1;
	s8 =	sadd.s32 s9, s8;
	s13 =	smul.u32 $0x2800, s7  }
0xd: {  	s9 =	ssub.s32 s29, s30;
	s31 =	sshrl.u32 s10, $0x2;
	s8 =	sshrl.u32 s8, $0x3  }
0xe: {  	s8 =	sadd.s32 s8, s6;
	s6 =	sadd.s32 s31, s1;
	s17 =	sshrl.u32 s13, $0x3  }
0xf: {  	s7 =	sadd.s32 $0x5FC00, s8;
	s8 =	smax.u32 s9, $0x1;
	s9 =	sadd.s32 $0x4000, s6  }
0x10: {  	s10 =	sadd.s32 $0x8000, s6;
	s11 =	sadd.s32 $0xC000, s6;
	s12 =	sadd.s32 $0x10000, s6  }
0x11: {  	s13 =	sadd.s32 s15, s17;
	s14 =	sadd.s32 s16, s17;
	s17 =	sadd.s32 $0x280, s17  }
0x12: {  	s15 =	sadd.s32 s15, s17;
	s16 =	sadd.s32 s16, s17;
	s17 =	simm.s32 $0x2800  }
.LBB2_1:
0x13: {  	[tilespmem:s17], [sflag:$0x3] =	stream.linear.gather [hbm4b:s5+s3], $0x4000, $0x38;
	[tilespmem:$0x1E800] =	vst v63  }
0x14: {  	_ =	swait.ge [sflag:s18], $0x4000  }
0x15: {  	[sflag:s18] =	ssyncset.done $0x0  }
0x16: {  	[sflag:s18] =	ssyncadd.s32 $0xFFFFC000  }
0x17: {  	[spmem:s6] =	stream.linear.scatter [tilespmem:s17], [sflag:$0x3], $0x4000, $0x38;
	[tilespmem:$0x1E800] =	vst v63  }
0x18: {  	_ =	swait.ge [sflag:s18], $0x4000  }
0x19: {  	[sflag:s18] =	ssyncset.done $0x0  }
0x1a: {  	[sflag:s18] =	ssyncadd.s32 $0xFFFFC000  }
0x1b: {  	[spmem:s9] =	stream.linear.scatter [tilespmem:s17], [sflag:$0x3], $0x4000, $0x38;
	[tilespmem:$0x1E800] =	vst v63  }
0x1c: {  	_ =	swait.ge [sflag:s18], $0x4000  }
0x1d: {  	[sflag:s18] =	ssyncset.done $0x0  }
0x1e: {  	[sflag:s18] =	ssyncadd.s32 $0xFFFFC000  }
0x1f: {  	[spmem:s10] =	stream.linear.scatter [tilespmem:s17], [sflag:$0x3], $0x4000, $0x38;
	[tilespmem:$0x1E800] =	vst v63  }
0x20: {  	_ =	swait.ge [sflag:s18], $0x4000  }
0x21: {  	[sflag:s18] =	ssyncset.done $0x0  }
0x22: {  	[sflag:s18] =	ssyncadd.s32 $0xFFFFC000  }
0x23: {  	[spmem:s11] =	stream.linear.scatter [tilespmem:s17], [sflag:$0x3], $0x4000, $0x38;
	[tilespmem:$0x1E800] =	vst v63  }
0x24: {  	_ =	swait.ge [sflag:s18], $0x4000  }
0x25: {  	[sflag:s18] =	ssyncset.done $0x0  }
0x26: {  	[sflag:s18] =	ssyncadd.s32 $0xFFFFC000  }
0x27: {  	[spmem:s12] =	stream.linear.scatter [tilespmem:s17], [sflag:$0x3], $0x4000, $0x38;
	[tilespmem:$0x1E800] =	vst v63  }
0x28: {  	_ =	swait.ge [sflag:s18], $0x4000  }
0x29: {  	[sflag:s18] =	ssyncset.done $0x0  }
0x2a: {  	[sflag:s18] =	ssyncadd.s32 $0xFFFFC000  }
0x2b: {  	[bflag:$0x0] =	sbarrier.arrive $0xFFFF  }
0x2c: {  	[tilespmem:s3], [sflag:$0x3] =	stream.linear.gather [hbm4b:s13+s3], $0x1400, $0x38;
	[tilespmem:$0x1E800] =	vst v63  }
0x2d: {  	_ =	swait.ge [sflag:s18], $0x1400  }
0x2e: {  	[sflag:s18] =	ssyncset.done $0x0  }
0x2f: {  	[sflag:s18] =	ssyncadd.s32 $0xFFFFEC00  }
0x30: {  	[tilespmem:s19], [sflag:$0x3] =	stream.linear.gather [hbm4b:s14+s3], $0x1400, $0x38;
	[tilespmem:$0x1E800] =	vst v63  }
0x31: {  	_ =	swait.ge [sflag:s18], $0x1400  }
0x32: {  	[sflag:s18] =	ssyncset.done $0x0  }
0x33: {  	[sflag:s18] =	ssyncadd.s32 $0xFFFFEC00  }
0x34: {  	[tilespmem:s17], [sflag:$0x1] =	stream.indirect.gather [hbm4b:s4+s20], $0x80, s3, s20, $0xb8;
	[tilespmem:$0x1E800] =	vst v63  }
0x35: {  	_ = 	snop  }
0x36: {  	[tilespmem:s21], [sflag:$0x2] =	stream.indirect.gather [hbm4b:s4+s20], $0x80, s20, s20, $0xb8;
	[tilespmem:$0x1E800] =	vst v63  }
0x37: {  	_ =	swait.ge [sflag:s22], $0x4000  }
0x38: {  	[sflag:s22] =	ssyncset.done $0x0  }
0x39: {  	s28 =	simm.s32 $0x1400;
	[sflag:s22] =	ssyncadd.s32 $0xFFFFC000  }
0x3a: {  	[spmem:s1] =	stream.indirect.scatter.add.f32 [tilespmem:s17], [sflag:$0x3], $0x80, s28, s20, $0xb8;
	[tilespmem:$0x1E800] =	vst v63  }
0x3b: {  	_ =	swait.ge [sflag:s18], $0x4000  }
0x3c: {  	[sflag:s18] =	ssyncset.done $0x0  }
0x3d: {  	s28 =	simm.s32 $0x100;
	[sflag:s18] =	ssyncadd.s32 $0xFFFFC000  }
0x3e: {  	[tilespmem:s17], [sflag:$0x1] =	stream.indirect.gather [hbm4b:s4+s20], $0x80, s28, s20, $0xb8;
	[tilespmem:$0x1E800] =	vst v63  }
0x3f: {  	_ =	swait.ge [sflag:s23], $0x4000  }
0x40: {  	[sflag:s23] =	ssyncset.done $0x0  }
0x41: {  	s28 =	simm.s32 $0x1480;
	[sflag:s23] =	ssyncadd.s32 $0xFFFFC000  }
0x42: {  	[spmem:s1] =	stream.indirect.scatter.add.f32 [tilespmem:s21], [sflag:$0x3], $0x80, s28, s20, $0xb8;
	[tilespmem:$0x1E800] =	vst v63  }
0x43: {  	_ =	swait.ge [sflag:s18], $0x4000  }
0x44: {  	[sflag:s18] =	ssyncset.done $0x0  }
0x45: {  	s29 =	simm.s32 $0x180;
	s28 =	simm.s32 $0x400;
	[sflag:s18] =	ssyncadd.s32 $0xFFFFC000  }
.LBB2_2:
0x46: {  	[tilespmem:s21], [sflag:$0x2] =	stream.indirect.gather [hbm4b:s4+s20], $0x80, s29, s20, $0xb8;
	[tilespmem:$0x1E800] =	vst v63  }
0x47: {  	s29 =	smov.u32 s28  }
0x48: {  	p0 =	sne.s32 s28, $0x4800;
	s28 =	sadd.s32 $0x400, s28;
	_ =	swait.ge [sflag:s22], $0x4000  }
0x49: {  	s29 =	sshra.s32 s29, $0x2;
	[sflag:s22] =	ssyncset.done $0x0  }
0x4a: {  	s30 =	sadd.s32 $0x1400, s29;
	[sflag:s22] =	ssyncadd.s32 $0xFFFFC000  }
0x4b: {  	[spmem:s1] =	stream.indirect.scatter.add.f32 [tilespmem:s17], [sflag:$0x3], $0x80, s30, s20, $0xb8;
	[tilespmem:$0x1E800] =	vst v63  }
0x4c: {  	_ =	swait.ge [sflag:s18], $0x4000  }
0x4d: {  	[sflag:s18] =	ssyncset.done $0x0  }
0x4e: {  	s30 =	sadd.s32 $0x100, s29;
	[sflag:s18] =	ssyncadd.s32 $0xFFFFC000  }
0x4f: {  	[tilespmem:s17], [sflag:$0x1] =	stream.indirect.gather [hbm4b:s4+s20], $0x80, s30, s20, $0xb8;
	[tilespmem:$0x1E800] =	vst v63  }
0x50: {  	_ =	swait.ge [sflag:s23], $0x4000  }
0x51: {  	[sflag:s23] =	ssyncset.done $0x0  }
.Ltmp0:
0x52: {  	s30 =	sadd.s32 $0x1480, s29;
	[sflag:s23] =	ssyncadd.s32 $0xFFFFC000;
	(pc) =	sbr.rel @p0 .LBB2_2-.Ltmp0, $4  }
0x53: {  	[spmem:s1] =	stream.indirect.scatter.add.f32 [tilespmem:s21], [sflag:$0x3], $0x80, s30, s20, $0xb8;
	[tilespmem:$0x1E800] =	vst v63  }
0x54: {  	_ =	swait.ge [sflag:s18], $0x4000  }
0x55: {  	[sflag:s18] =	ssyncset.done $0x0  }
0x56: {  	s29 =	sadd.s32 $0x180, s29;
	[sflag:s18] =	ssyncadd.s32 $0xFFFFC000  }
0x57: {  	[tilespmem:s21], [sflag:$0x2] =	stream.indirect.gather [hbm4b:s4+s20], $0x80, s29, s20, $0xb8;
	[tilespmem:$0x1E800] =	vst v63  }
0x58: {  	_ =	swait.ge [sflag:s22], $0x4000  }
0x59: {  	[sflag:s22] =	ssyncset.done $0x0  }
0x5a: {  	[sflag:s22] =	ssyncadd.s32 $0xFFFFC000  }
0x5b: {  	[spmem:s1] =	stream.indirect.scatter.add.f32 [tilespmem:s17], [sflag:$0x3], $0x80, s24, s20, $0xb8;
	[tilespmem:$0x1E800] =	vst v63  }
0x5c: {  	_ =	swait.ge [sflag:s18], $0x4000  }
0x5d: {  	[sflag:s18] =	ssyncset.done $0x0  }
0x5e: {  	[sflag:s18] =	ssyncadd.s32 $0xFFFFC000  }
0x5f: {  	_ =	swait.ge [sflag:s23], $0x4000  }
0x60: {  	[sflag:s23] =	ssyncset.done $0x0  }
0x61: {  	[sflag:s23] =	ssyncadd.s32 $0xFFFFC000  }
0x62: {  	[spmem:s1] =	stream.indirect.scatter.add.f32 [tilespmem:s21], [sflag:$0x3], $0x80, s25, s20, $0xb8;
	[tilespmem:$0x1E800] =	vst v63  }
0x63: {  	_ =	swait.ge [sflag:s18], $0x4000  }
0x64: {  	[sflag:s18] =	ssyncset.done $0x0  }
0x65: {  	s28 =	simm.s32 $0x0;
	[sflag:s18] =	ssyncadd.s32 $0xFFFFC000  }
0x66: {  	[tilespmem:s28], [sflag:$0x3] =	stream.linear.gather [hbm4b:s15+s28], $0x1400, $0x38;
	[tilespmem:$0x1E800] =	vst v63  }
0x67: {  	_ =	swait.ge [sflag:s18], $0x1400  }
0x68: {  	[sflag:s18] =	ssyncset.done $0x0  }
0x69: {  	[sflag:s18] =	ssyncadd.s32 $0xFFFFEC00  }
0x6a: {  	[tilespmem:s19], [sflag:$0x3] =	stream.linear.gather [hbm4b:s16+s28], $0x1400, $0x38;
	[tilespmem:$0x1E800] =	vst v63  }
0x6b: {  	_ =	swait.ge [sflag:s18], $0x1400  }
0x6c: {  	[sflag:s18] =	ssyncset.done $0x0  }
0x6d: {  	[sflag:s18] =	ssyncadd.s32 $0xFFFFEC00  }
0x6e: {  	[tilespmem:s17], [sflag:$0x1] =	stream.indirect.gather [hbm4b:s4+s20], $0x80, s28, s20, $0xb8;
	[tilespmem:$0x1E800] =	vst v63  }
0x6f: {  	_ = 	snop  }
0x70: {  	[tilespmem:s21], [sflag:$0x2] =	stream.indirect.gather [hbm4b:s4+s20], $0x80, s20, s20, $0xb8;
	[tilespmem:$0x1E800] =	vst v63  }
0x71: {  	_ =	swait.ge [sflag:s22], $0x4000  }
0x72: {  	[sflag:s22] =	ssyncset.done $0x0  }
0x73: {  	s28 =	simm.s32 $0x1400;
	[sflag:s22] =	ssyncadd.s32 $0xFFFFC000  }
0x74: {  	[spmem:s1] =	stream.indirect.scatter.add.f32 [tilespmem:s17], [sflag:$0x3], $0x80, s28, s20, $0xb8;
	[tilespmem:$0x1E800] =	vst v63  }
0x75: {  	_ =	swait.ge [sflag:s18], $0x4000  }
0x76: {  	[sflag:s18] =	ssyncset.done $0x0  }
0x77: {  	s28 =	simm.s32 $0x100;
	[sflag:s18] =	ssyncadd.s32 $0xFFFFC000  }
0x78: {  	[tilespmem:s17], [sflag:$0x1] =	stream.indirect.gather [hbm4b:s4+s20], $0x80, s28, s20, $0xb8;
	[tilespmem:$0x1E800] =	vst v63  }
0x79: {  	_ =	swait.ge [sflag:s23], $0x4000  }
0x7a: {  	[sflag:s23] =	ssyncset.done $0x0  }
0x7b: {  	s28 =	simm.s32 $0x1480;
	[sflag:s23] =	ssyncadd.s32 $0xFFFFC000  }
0x7c: {  	[spmem:s1] =	stream.indirect.scatter.add.f32 [tilespmem:s21], [sflag:$0x3], $0x80, s28, s20, $0xb8;
	[tilespmem:$0x1E800] =	vst v63  }
0x7d: {  	_ =	swait.ge [sflag:s18], $0x4000  }
0x7e: {  	[sflag:s18] =	ssyncset.done $0x0  }
0x7f: {  	s29 =	simm.s32 $0x180;
	s28 =	simm.s32 $0x400;
	[sflag:s18] =	ssyncadd.s32 $0xFFFFC000  }
.LBB2_4:
0x80: {  	[tilespmem:s21], [sflag:$0x2] =	stream.indirect.gather [hbm4b:s4+s20], $0x80, s29, s20, $0xb8;
	[tilespmem:$0x1E800] =	vst v63  }
0x81: {  	s29 =	smov.u32 s28  }
0x82: {  	p0 =	sne.s32 s28, $0x4800;
	s28 =	sadd.s32 $0x400, s28;
	_ =	swait.ge [sflag:s22], $0x4000  }
0x83: {  	s29 =	sshra.s32 s29, $0x2;
	[sflag:s22] =	ssyncset.done $0x0  }
0x84: {  	s30 =	sadd.s32 $0x1400, s29;
	[sflag:s22] =	ssyncadd.s32 $0xFFFFC000  }
0x85: {  	[spmem:s1] =	stream.indirect.scatter.add.f32 [tilespmem:s17], [sflag:$0x3], $0x80, s30, s20, $0xb8;
	[tilespmem:$0x1E800] =	vst v63  }
0x86: {  	_ =	swait.ge [sflag:s18], $0x4000  }
0x87: {  	[sflag:s18] =	ssyncset.done $0x0  }
0x88: {  	s30 =	sadd.s32 $0x100, s29;
	[sflag:s18] =	ssyncadd.s32 $0xFFFFC000  }
0x89: {  	[tilespmem:s17], [sflag:$0x1] =	stream.indirect.gather [hbm4b:s4+s20], $0x80, s30, s20, $0xb8;
	[tilespmem:$0x1E800] =	vst v63  }
0x8a: {  	_ =	swait.ge [sflag:s23], $0x4000  }
0x8b: {  	[sflag:s23] =	ssyncset.done $0x0  }
.Ltmp1:
0x8c: {  	s30 =	sadd.s32 $0x1480, s29;
	[sflag:s23] =	ssyncadd.s32 $0xFFFFC000;
	(pc) =	sbr.rel @p0 .LBB2_4-.Ltmp1, $4  }
0x8d: {  	[spmem:s1] =	stream.indirect.scatter.add.f32 [tilespmem:s21], [sflag:$0x3], $0x80, s30, s20, $0xb8;
	[tilespmem:$0x1E800] =	vst v63  }
0x8e: {  	_ =	swait.ge [sflag:s18], $0x4000  }
0x8f: {  	[sflag:s18] =	ssyncset.done $0x0  }
0x90: {  	s29 =	sadd.s32 $0x180, s29;
	[sflag:s18] =	ssyncadd.s32 $0xFFFFC000  }
0x91: {  	[tilespmem:s21], [sflag:$0x2] =	stream.indirect.gather [hbm4b:s4+s20], $0x80, s29, s20, $0xb8;
	[tilespmem:$0x1E800] =	vst v63  }
0x92: {  	_ =	swait.ge [sflag:s22], $0x4000  }
0x93: {  	[sflag:s22] =	ssyncset.done $0x0  }
0x94: {  	[sflag:s22] =	ssyncadd.s32 $0xFFFFC000  }
0x95: {  	[spmem:s1] =	stream.indirect.scatter.add.f32 [tilespmem:s17], [sflag:$0x3], $0x80, s24, s20, $0xb8;
	[tilespmem:$0x1E800] =	vst v63  }
0x96: {  	_ =	swait.ge [sflag:s18], $0x4000  }
0x97: {  	[sflag:s18] =	ssyncset.done $0x0  }
0x98: {  	[sflag:s18] =	ssyncadd.s32 $0xFFFFC000  }
0x99: {  	_ =	swait.ge [sflag:s23], $0x4000  }
0x9a: {  	[sflag:s23] =	ssyncset.done $0x0  }
0x9b: {  	[sflag:s23] =	ssyncadd.s32 $0xFFFFC000  }
0x9c: {  	[spmem:s1] =	stream.indirect.scatter.add.f32 [tilespmem:s21], [sflag:$0x3], $0x80, s25, s20, $0xb8;
	[tilespmem:$0x1E800] =	vst v63  }
0x9d: {  	_ =	swait.ge [sflag:s18], $0x4000  }
0x9e: {  	s28 =	sshll.u32 s2, $0x6;
	s26 =	sadd.s32 $0x1, s26;
	[sflag:s18] =	ssyncset.done $0x0  }
0x9f: {  	s31 =	sshrl.u32 s6, $0x3;
	p0 =	sne.s32 s26, s8;
	[sflag:s18] =	ssyncadd.s32 $0xFFFFC000  }
.Ltmp2:
0xa0: {  	s28 =	sor.u32 $0x1C03, s28;
	[bflag:$0x0] =	sbarrier.arrive $0xFFFF;
	(pc) =	sbr.rel @p0 .LBB2_1-.Ltmp2, $4  }
0xa1: {  	[hbm:s7], [sflag:s28] =	dma.local [spmem:s31], $0x2800  }
0xa2: {  	_ =	swait.ge [sflag:s18], $0x2800  }
0xa3: {  	[sflag:s18] =	ssyncset.done $0x0  }
0xa4: {  	[sflag:s18] =	ssyncadd.s32 $0xFFFFD800  }
0xa5: {  	_ =	sfence.sel $0x180000  }
0xa6: {  	[bflag:$0x0] =	sbarrier.arrive $0xFFFF  }
0xa7: {  	p0 =	sne.s32 s2, $0x0;
	_ =	strace $0x9000004A  }
0xa8: {  	s0 =	sadd.s32 @!p0 $0x100000, s0;
	[bflag:$0x2] =	sbarrier.arrive $0xFFFF  }
0xa9: {  	[sflag:s0] =	ssyncadd.tile.s32 @!p0 $0x1;
	_ =	shalt  }
.Lfunc_end2:
_tile_overlayer_lowered:
.L_overlay_start_2:
0xaa: {  	(tag) =	ssettag $0x2  }
0xab: {  	s0 =	rddreg [dreg:$0x0];
	s2 =	stileid.u32  }
0xac: {  	s1 =	rddreg [dreg:$0x1];
	p0 =	sne.s32 s2, $0x0  }
0xad: {  	s3 =	rddreg [dreg:$0x2];
	[bflag:$0x3] =	sbarrier.arrive $0xFFFF;
	s2 =	simm.s32 @!p0 $0x1C03  }
0xae: {  	[timem:s3], [sflag:s2] =	dma.local @!p0 [hbm:s0], s1  }
0xaf: {  	s0 =	simm.s32 @!p0 $0x3  }
0xb0: {  	_ =	swait.ge @!p0 [sflag:s0], s1  }
0xb1: {  	s1 =	ssub.s32 @!p0 $0x0, s1;
	[sflag:s0] =	ssyncset.done @!p0 $0x0  }
0xb2: {  	[sflag:s0] =	ssyncadd.s32 @!p0 s1  }
0xb3: {  	[bflag:$0x3] =	sbarrier.arrive $0xFFFF  }
0xb4: {  	_ =	shalt  }

// kernel: kernel.15.cloned.1.call-start
scs
__scs_entry_jumppad:
0x0: {  	(pc) =	sbr.rel $0x88, $3  }
0x1: {  	(tag) =	ssettag $0x0;
	lr =	simm.s32 $0x1  }
0x2: {  	[smem:$0x3F90] =	sst lr;
	_ =	strace $0xD0000000  }
0x3: {  	_ = 	snop  }
0x4: {  	_ = 	snop  }
0x5: {  	_ = 	snop  }
0x6: {  	_ = 	snop  }
0x7: {  	_ = 	snop  }
__scs_overlays_trampoline_lowered:
0x8: {  	[smem:$0x3F9F] =	sst s0  }
0x9: {  	[smem:$0x3FA0] =	sst s1  }
0xa: {  	[smem:$0x3FA1] =	sst s2  }
0xb: {  	[smem:$0x3FA2] =	sst s3  }
0xc: {  	[smem:$0x3FA3] =	sst s4  }
0xd: {  	[smem:$0x3FA4] =	sst s5  }
0xe: {  	[smem:$0x3FA5] =	sst s6  }
0xf: {  	[smem:$0x3FA6] =	sst s7  }
0x10: {  	[smem:$0x3FA7] =	sst s8  }
0x11: {  	[smem:$0x3FA8] =	sst s9;
	s0 =	simm.s32 @!p0 $0x0  }
0x12: {  	s1 =	sld [smem:$0x3F8E];
	s0 =	simm.s32 @p0 $0x1  }
0x13: {  	[smem:$0x3FA9] =	sst s0;
	s0 =	simm.s32 @!p1 $0x0  }
0x14: {  	s2 =	sld [smem:$0x3F8D];
	s0 =	simm.s32 @p1 $0x1  }
0x15: {  	[smem:$0x3FAA] =	sst s0;
	s0 =	simm.s32 @!p2 $0x0  }
0x16: {  	s3 =	sld [smem:$0x3FDB];
	s0 =	simm.s32 @p2 $0x1  }
0x17: {  	s4 =	simm.s32 $0x1BF5;
	[smem:$0x3FAC] =	sst s0  }
0x18: {  	s0 =	sld [smem:$0x3F8F];
	_ =	swait.ge [sflag:s4], $0x0  }
0x19: {  	s7 =	sld [smem:$0x3F90]  }
0x1a: {  	s8 =	sadd.s32 $0xFFFFE003, lr  }
0x1b: {  	s9 =	sadd.s32 $0xFFFFFEF7, lr;
	s5 =	simm.s32 $0xFFFFFFFF;
	p2 =	slt.u32 s8, $0xFFFFF086  }
0x1c: {  	p1 =	slt.u32 s9, $0xF7A;
	s5 =	simm.s32 @!p2 $0x0  }
0x1d: {  	s5 =	simm.s32 @p1 $0x1;
	p0 =	seq.s32 s7, s2  }
0x1e: {  	s7 =	smul.u32 @!p0 $0xF7A, s2;
	p2 =	seq.s32 @!p0 s5, $0x0  }
0x1f: {  	s9 =	smul.u32 $0xF7A, s1;
	s8 =	simm.s32 @!p0 $0x1BF5;
	p2 =	por !p2, p0  }
0x20: {  	[sflag:s8] =	ssyncset.s32 @!p0 $0xFFFFF086;
	s6 =	sadd.s32 @!p0 s3, s7;
	s7 =	simm.s32 @!p0 $0x108  }
0x21: {  	s3 =	sadd.s32 s3, s9;
	s6 =	sadd.s32 @!p0 $0x88, s6;
	s7 =	simm.s32 @p2 $0x1082  }
0x22: {  	[simem:s7], [sflag:s8] =	dma.local @!p0 [hbm:s6], $0xF7A  }
0x23: {  	s9 =	sor.u32 $0xD0000000, s2;
	s6 =	simm.s32 $0x108;
	_ =	swait.ge @!p0 [sflag:s8], $0x0  }
0x24: {  	s3 =	sadd.s32 $0x88, s3;
	s6 =	simm.s32 @!p1 $0x1082;
	[sflag:s4] =	ssyncset.s32 $0xFFFFF086  }
0x25: {  	[simem:s6], [sflag:s4] =	dma.local [hbm:s3], $0xF7A  }
0x26: {  	[smem:$0x3F90] =	sst s1;
	(tag) =	ssettag s2;
	_ =	strace s9  }
0x27: {  	s1 =	sld [smem:$0x3FA0]  }
0x28: {  	s2 =	sld [smem:$0x3FA1]  }
0x29: {  	s4 =	sld [smem:$0x3FA3]  }
0x2a: {  	p0 =	seq.s32 s5, $0x0;
	s5 =	sld [smem:$0x3FA4]  }
0x2b: {  	s6 =	sld [smem:$0x3FA5]  }
0x2c: {  	s7 =	sld [smem:$0x3FA6]  }
0x2d: {  	s3 =	simm.s32 $0x108;
	s8 =	sld [smem:$0x3FA7]  }
0x2e: {  	s3 =	simm.s32 @!p0 $0x1082;
	s9 =	sld [smem:$0x3FA8]  }
0x2f: {  	lr =	sadd.s32 s0, s3;
	s0 =	sld [smem:$0x3F9F]  }
0x30: {  	s3 =	sld [smem:$0x3FA2]  }
0x31: {  	[smem:$0x3FAB] =	sst s10  }
0x32: {  	s10 =	sld [smem:$0x3FA9];
	_ =	sdelay $0x3  }
0x33: {  	p0 =	seq.s32 s10, $0x1;
	s10 =	sld [smem:$0x3FAB];
	_ =	sdelay $0x3  }
0x34: {  	[smem:$0x3FAB] =	sst s10  }
0x35: {  	s10 =	sld [smem:$0x3FAA];
	_ =	sdelay $0x3  }
0x36: {  	p1 =	seq.s32 s10, $0x1;
	s10 =	sld [smem:$0x3FAB];
	_ =	sdelay $0x3  }
0x37: {  	[smem:$0x3FAB] =	sst s10  }
0x38: {  	s10 =	sld [smem:$0x3FAC]  }
0x39: {  	_ = 	snop;
	(pc) =	sbr.ind lr, $3  }
0x3a: {  	_ = 	snop  }
0x3b: {  	_ = 	snop  }
0x3c: {  	p2 =	seq.s32 s10, $0x1;
	s10 =	sld [smem:$0x3FAB]  }
0x3d: {  	_ =	shalt  }
0x3e: {  	_ =	shalt  }
0x3f: {  	_ =	shalt  }
0x40: {  	_ =	shalt  }
0x41: {  	_ =	shalt  }
0x42: {  	_ =	shalt  }
0x43: {  	_ =	shalt  }
0x44: {  	_ =	shalt  }
0x45: {  	_ =	shalt  }
0x46: {  	_ =	shalt  }
0x47: {  	_ =	shalt  }
0x48: {  	_ =	shalt  }
0x49: {  	_ =	shalt  }
0x4a: {  	_ =	shalt  }
0x4b: {  	_ =	shalt  }
0x4c: {  	_ =	shalt  }
0x4d: {  	_ =	shalt  }
0x4e: {  	_ =	shalt  }
0x4f: {  	_ =	shalt  }
0x50: {  	_ =	shalt  }
0x51: {  	_ =	shalt  }
0x52: {  	_ =	shalt  }
0x53: {  	_ =	shalt  }
0x54: {  	_ =	shalt  }
0x55: {  	_ =	shalt  }
0x56: {  	_ =	shalt  }
0x57: {  	_ =	shalt  }
0x58: {  	_ =	shalt  }
0x59: {  	_ =	shalt  }
0x5a: {  	_ =	shalt  }
0x5b: {  	_ =	shalt  }
0x5c: {  	_ =	shalt  }
0x5d: {  	_ =	shalt  }
0x5e: {  	_ =	shalt  }
0x5f: {  	_ =	shalt  }
0x60: {  	_ =	shalt  }
0x61: {  	_ =	shalt  }
0x62: {  	_ =	shalt  }
0x63: {  	_ =	shalt  }
0x64: {  	_ =	shalt  }
0x65: {  	_ =	shalt  }
0x66: {  	_ =	shalt  }
0x67: {  	_ =	shalt  }
0x68: {  	_ =	shalt  }
0x69: {  	_ =	shalt  }
0x6a: {  	_ =	shalt  }
0x6b: {  	_ =	shalt  }
0x6c: {  	_ =	shalt  }
0x6d: {  	_ =	shalt  }
0x6e: {  	_ =	shalt  }
0x6f: {  	_ =	shalt  }
0x70: {  	_ =	shalt  }
0x71: {  	_ =	shalt  }
0x72: {  	_ =	shalt  }
0x73: {  	_ =	shalt  }
0x74: {  	_ =	shalt  }
0x75: {  	_ =	shalt  }
0x76: {  	_ =	shalt  }
0x77: {  	_ =	shalt  }
0x78: {  	_ =	shalt  }
0x79: {  	_ =	shalt  }
0x7a: {  	_ =	shalt  }
0x7b: {  	_ =	shalt  }
0x7c: {  	_ =	shalt  }
0x7d: {  	_ =	shalt  }
0x7e: {  	_ =	shalt  }
0x7f: {  	_ =	shalt  }
0x80: {  	_ =	shalt  }
0x81: {  	_ =	shalt  }
0x82: {  	_ =	shalt  }
0x83: {  	_ =	shalt  }
0x84: {  	_ =	shalt  }
0x85: {  	_ =	shalt  }
0x86: {  	_ =	shalt  }
0x87: {  	_ =	shalt  }
.Lfunc_end0:
.L_simem_size_0:
called_computation.2_lowered:
.L_overlay_start_0:
0x88: {  	s2 =	sld [smem:$0x3FD9]  }
0x89: {  	s3 =	sld [smem:$0x3FFE];
	_ =	sdelay $0x1  }
0x8a: {  	s1 =	srdreg.scid  }
0x8b: {  	s0 =	sand.u32 $0x1, s1  }
0x8c: {  	s16 =	sshll.u32 s0, $0xA;
	s2 =	sadd.s32 s3, s2  }
0x8d: {  	s2 =	sadd.s32 s2, s16  }
0x8e: {  	[smem:$0x3FB7] =	sst s2  }
0x8f: {  	_ = 	snop  }
0x90: {  	(tm) =	ssettm $0x1  }
0x91: {  	s17 =	sld [smem:$0x3FFB];
	_ =	sdelay $0x3  }
0x92: {  	_ =	strace s17  }
0x93: {  	s2 =	sld [smem:$0x3FFC];
	_ =	sdelay $0x3  }
0x94: {  	_ =	strace s2  }
0x95: {  	s2 =	sld [smem:$0x3FFD];
	_ =	sdelay $0x3  }
0x96: {  	_ =	strace s2  }
0x97: {  	_ =	strace $0x8FFFFFFF  }
0x98: {  	s18 =	sld [smem:$0x3FDB];
	_ =	sdelay $0x1  }
0x99: {  	s19 =	simm.s32 $_scs_section_size  }
0x9a: {  	s4 =	simm.s32 $_size__tile_overlayer_lowered;
	s5 =	simm.s32 $_tile_overlayer_lowered  }
0x9b: {  	s22 =	simm.s32 $0x1BFF;
	s21 =	sshll.u32 s5, $0x1;
	s2 =	sadd.s32 s19, s18  }
0x9c: {  	s6 =	simm.s32 $0x0;
	s20 =	sshll.u32 s4, $0x1;
	s4 =	sadd.s32 s21, s2  }
0x9d: {  	[timem:s6], [sflag:s22] =	dma.local [hbm:s4], s20  }
0x9e: {  	_ =	swait.ge [sflag:s22], s20  }
0x9f: {  	s3 =	ssub.s32 $0x0, s20;
	[sflag:s22] =	ssyncset.done $0x0  }
0xa0: {  	[sflag:s22] =	ssyncadd.s32 s3;
	_ =	sdelay $0x1  }
0xa1: {  	s23 =	simm.s32 $0x1B8B  }
0xa2: {  	_ =	swait.ge [sflag:s23], $0x1  }
0xa3: {  	[sflag:s23] =	ssyncset.done $0x0  }
0xa4: {  	s25 =	simm.s32 $0x1B8E;
	s24 =	sld [smem:$0x3FFE];
	[sflag:s23] =	ssyncadd.s32 $0xFFFFFFFF  }
0xa5: {  	s26 =	simm.s32 $execute0_lowered;
	[smem:$0x3FD2] =	sst s25  }
0xa6: {  	s4 =	sshll.u32 s26, $0x1;
	_ =	strace $0x8000004C;
	[dreg:$0x1] =	wrdreg $0xFFFFFFFF  }
0xa7: {  	s28 =	simm.s32 $_size_execute0_lowered;
	s2 =	sadd.s32 s2, s4;
	[dreg:$0x0] =	wrdreg $0x0  }
0xa8: {  	s4 =	sshll.u32 s28, $0x1;
	[dreg:$0x2] =	wrdreg s2  }
0xa9: {  	[dreg:$0x3] =	wrdreg s4  }
0xaa: {  	[dreg:$0x4] =	wrdreg $0xC0  }
0xab: {  	_ =	task [dreg:s6], $0x5FFFF  }
0xac: {  	[dreg:$0x1] =	wrdreg $0xFFFFFFFF  }
0xad: {  	[dreg:$0x0] =	wrdreg $0x60  }
0xae: {  	[dreg:$0x2] =	wrdreg s24  }
0xaf: {  	[dreg:$0x3] =	wrdreg $0xA8000  }
0xb0: {  	[dreg:$0x4] =	wrdreg $0x9  }
0xb1: {  	_ =	task.clear_ibuf [dreg:s6], $0x5FFFF;
	_ =	strace $0x9000004C  }
0xb2: {  	s29 =	simm.s32 $0x9;
	_ =	strace $0x8000004E  }
0xb3: {  	_ =	swait.ge [sflag:s29], $0x1  }
0xb4: {  	[sflag:s29] =	ssyncadd.s32 $0xFFFFFFFF  }
0xb5: {  	_ =	strace $0x9000004E  }
0xb6: {  	_ =	sfence  }
0xb7: {  	s30 =	sld [smem:$0x0];
	_ =	sdelay $0x2  }
0xb8: {  	s31 =	sshll.u32 s1, $0xD;
	s1 =	sshrl.u32 s1, $0x2  }
0xb9: {  	s3 =	sand.u32 $0x4000, s31;
	s1 =	sadd.s32 s1, s30  }
0xba: {  	s0 =	sor.u32 s3, s0;
	s1 =	sshll.u32 s1, $0x11  }
0xbb: {  	s0 =	sor.u32 s1, s0  }
0xbc: {  	s0 =	sadd.s32 $0x8F2B, s0  }
0xbd: {  	[sflag:s0] =	ssyncadd.remote.s32 $0x1  }
0xbe: {  	_ =	sfence.sel $0xFFFF  }
0xbf: {  	[dreg:$0x0] =	wrdreg $0xFFFFFFFF;
	(pc) =	sbr.abs _section_cstart, $3  }
0xc0: {  	[dreg:$0x1] =	wrdreg $0xFFFFFFFF  }
0xc1: {  	_ =	task.clear_ibuf [dreg:s6], $0x2FFFF;
	_ =	strace $0x9FFFFFFF  }
0xc2: {  	(tm) =	ssettm $0x7FFFFFFF  }
0xc3: {  	_ =	shalt  }
tec
execute0_lowered:
.L_overlay_start_1:
0x0: {  	(tag) =	ssettag $0x1  }
0x1: {  	s6 =	rddreg [dreg:$0x0]  }
0x2: {  	s1 =	rddreg [dreg:$0x1]  }
0x3: {  	s2 =	srdreg.scid;
	s0 =	rddreg [dreg:$0x2]  }
0x4: {  	s3 =	simm.s32 $0x0;
	s18 =	simm.s32 $0x3;
	s19 =	simm.s32 $0x1400  }
0x5: {  	s20 =	simm.s32 $0x80;
	s21 =	simm.s32 $0x6800;
	s22 =	simm.s32 $0x1  }
0x6: {  	s23 =	simm.s32 $0x2;
	s24 =	simm.s32 $0x2700;
	s25 =	simm.s32 $0x2780  }
0x7: {  	s26 =	simm.s32 $0x0;
	s7 =	sand.u32 $0x1, s2;
	s2 =	stileid.u32  }
0x8: {  	[smem:$0x7FF] =	sst s3;
	s4 =	sadd.s32 $0x38A00, s6;
	s15 =	sadd.s32 $0x2DA00, s6  }
0x9: {  	s16 =	sadd.s32 $0x23A00, s6;
	s5 =	sadd.s32 $0x38200, s6;
	s8 =	smul.u32 $0x140000, s7  }
0xa: {  	s9 =	smul.u32 $0x14000, s2;
	s29 =	ssub.s32 $0x2, s7;
	s7 =	sshll.u32 s7, $0x4  }
0xb: {  	_ =	strace $0x8000004D;
	s10 =	smul.u32 $0x50000, s2;
	s7 =	sor.u32 s2, s7  }
0xc: {  	s30 =	sshrl.u32 s29, $0x1;
	s8 =	sadd.s32 s9, s8;
	s13 =	smul.u32 $0x2800, s7  }
0xd: {  	s9 =	ssub.s32 s29, s30;
	s31 =	sshrl.u32 s10, $0x2;
	s8 =	sshrl.u32 s8, $0x3  }
0xe: {  	s8 =	sadd.s32 s8, s6;
	s6 =	sadd.s32 s31, s1;
	s17 =	sshrl.u32 s13, $0x3  }
0xf: {  	s7 =	sadd.s32 $0x5FC00, s8;
	s8 =	smax.u32 s9, $0x1;
	s9 =	sadd.s32 $0x4000, s6  }
0x10: {  	s10 =	sadd.s32 $0x8000, s6;
	s11 =	sadd.s32 $0xC000, s6;
	s12 =	sadd.s32 $0x10000, s6  }
0x11: {  	s13 =	sadd.s32 s15, s17;
	s14 =	sadd.s32 s16, s17;
	s17 =	sadd.s32 $0x280, s17  }
0x12: {  	s15 =	sadd.s32 s15, s17;
	s16 =	sadd.s32 s16, s17;
	s17 =	simm.s32 $0x2800  }
.LBB2_1:
0x13: {  	[tilespmem:s17], [sflag:$0x3] =	stream.linear.gather [hbm4b:s5+s3], $0x4000, $0x38;
	[tilespmem:$0x1E800] =	vst v63  }
0x14: {  	_ =	swait.ge [sflag:s18], $0x4000  }
0x15: {  	[sflag:s18] =	ssyncset.done $0x0  }
0x16: {  	[sflag:s18] =	ssyncadd.s32 $0xFFFFC000  }
0x17: {  	[spmem:s6] =	stream.linear.scatter [tilespmem:s17], [sflag:$0x3], $0x4000, $0x38;
	[tilespmem:$0x1E800] =	vst v63  }
0x18: {  	_ =	swait.ge [sflag:s18], $0x4000  }
0x19: {  	[sflag:s18] =	ssyncset.done $0x0  }
0x1a: {  	[sflag:s18] =	ssyncadd.s32 $0xFFFFC000  }
0x1b: {  	[spmem:s9] =	stream.linear.scatter [tilespmem:s17], [sflag:$0x3], $0x4000, $0x38;
	[tilespmem:$0x1E800] =	vst v63  }
0x1c: {  	_ =	swait.ge [sflag:s18], $0x4000  }
0x1d: {  	[sflag:s18] =	ssyncset.done $0x0  }
0x1e: {  	[sflag:s18] =	ssyncadd.s32 $0xFFFFC000  }
0x1f: {  	[spmem:s10] =	stream.linear.scatter [tilespmem:s17], [sflag:$0x3], $0x4000, $0x38;
	[tilespmem:$0x1E800] =	vst v63  }
0x20: {  	_ =	swait.ge [sflag:s18], $0x4000  }
0x21: {  	[sflag:s18] =	ssyncset.done $0x0  }
0x22: {  	[sflag:s18] =	ssyncadd.s32 $0xFFFFC000  }
0x23: {  	[spmem:s11] =	stream.linear.scatter [tilespmem:s17], [sflag:$0x3], $0x4000, $0x38;
	[tilespmem:$0x1E800] =	vst v63  }
0x24: {  	_ =	swait.ge [sflag:s18], $0x4000  }
0x25: {  	[sflag:s18] =	ssyncset.done $0x0  }
0x26: {  	[sflag:s18] =	ssyncadd.s32 $0xFFFFC000  }
0x27: {  	[spmem:s12] =	stream.linear.scatter [tilespmem:s17], [sflag:$0x3], $0x4000, $0x38;
	[tilespmem:$0x1E800] =	vst v63  }
0x28: {  	_ =	swait.ge [sflag:s18], $0x4000  }
0x29: {  	[sflag:s18] =	ssyncset.done $0x0  }
0x2a: {  	[sflag:s18] =	ssyncadd.s32 $0xFFFFC000  }
0x2b: {  	[bflag:$0x0] =	sbarrier.arrive $0xFFFF  }
0x2c: {  	[tilespmem:s3], [sflag:$0x3] =	stream.linear.gather [hbm4b:s13+s3], $0x1400, $0x38;
	[tilespmem:$0x1E800] =	vst v63  }
0x2d: {  	_ =	swait.ge [sflag:s18], $0x1400  }
0x2e: {  	[sflag:s18] =	ssyncset.done $0x0  }
0x2f: {  	[sflag:s18] =	ssyncadd.s32 $0xFFFFEC00  }
0x30: {  	[tilespmem:s19], [sflag:$0x3] =	stream.linear.gather [hbm4b:s14+s3], $0x1400, $0x38;
	[tilespmem:$0x1E800] =	vst v63  }
0x31: {  	_ =	swait.ge [sflag:s18], $0x1400  }
0x32: {  	[sflag:s18] =	ssyncset.done $0x0  }
0x33: {  	[sflag:s18] =	ssyncadd.s32 $0xFFFFEC00  }
0x34: {  	[tilespmem:s17], [sflag:$0x1] =	stream.indirect.gather [hbm4b:s4+s20], $0x80, s3, s20, $0xb8;
	[tilespmem:$0x1E800] =	vst v63  }
0x35: {  	_ = 	snop  }
0x36: {  	[tilespmem:s21], [sflag:$0x2] =	stream.indirect.gather [hbm4b:s4+s20], $0x80, s20, s20, $0xb8;
	[tilespmem:$0x1E800] =	vst v63  }
0x37: {  	_ =	swait.ge [sflag:s22], $0x4000  }
0x38: {  	[sflag:s22] =	ssyncset.done $0x0  }
0x39: {  	s28 =	simm.s32 $0x1400;
	[sflag:s22] =	ssyncadd.s32 $0xFFFFC000  }
0x3a: {  	[spmem:s1] =	stream.indirect.scatter.add.f32 [tilespmem:s17], [sflag:$0x3], $0x80, s28, s20, $0xb8;
	[tilespmem:$0x1E800] =	vst v63  }
0x3b: {  	_ =	swait.ge [sflag:s18], $0x4000  }
0x3c: {  	[sflag:s18] =	ssyncset.done $0x0  }
0x3d: {  	s28 =	simm.s32 $0x100;
	[sflag:s18] =	ssyncadd.s32 $0xFFFFC000  }
0x3e: {  	[tilespmem:s17], [sflag:$0x1] =	stream.indirect.gather [hbm4b:s4+s20], $0x80, s28, s20, $0xb8;
	[tilespmem:$0x1E800] =	vst v63  }
0x3f: {  	_ =	swait.ge [sflag:s23], $0x4000  }
0x40: {  	[sflag:s23] =	ssyncset.done $0x0  }
0x41: {  	s28 =	simm.s32 $0x1480;
	[sflag:s23] =	ssyncadd.s32 $0xFFFFC000  }
0x42: {  	[spmem:s1] =	stream.indirect.scatter.add.f32 [tilespmem:s21], [sflag:$0x3], $0x80, s28, s20, $0xb8;
	[tilespmem:$0x1E800] =	vst v63  }
0x43: {  	_ =	swait.ge [sflag:s18], $0x4000  }
0x44: {  	[sflag:s18] =	ssyncset.done $0x0  }
0x45: {  	s29 =	simm.s32 $0x180;
	s28 =	simm.s32 $0x400;
	[sflag:s18] =	ssyncadd.s32 $0xFFFFC000  }
.LBB2_2:
0x46: {  	[tilespmem:s21], [sflag:$0x2] =	stream.indirect.gather [hbm4b:s4+s20], $0x80, s29, s20, $0xb8;
	[tilespmem:$0x1E800] =	vst v63  }
0x47: {  	s29 =	smov.u32 s28  }
0x48: {  	p0 =	sne.s32 s28, $0x4800;
	s28 =	sadd.s32 $0x400, s28;
	_ =	swait.ge [sflag:s22], $0x4000  }
0x49: {  	s29 =	sshra.s32 s29, $0x2;
	[sflag:s22] =	ssyncset.done $0x0  }
0x4a: {  	s30 =	sadd.s32 $0x1400, s29;
	[sflag:s22] =	ssyncadd.s32 $0xFFFFC000  }
0x4b: {  	[spmem:s1] =	stream.indirect.scatter.add.f32 [tilespmem:s17], [sflag:$0x3], $0x80, s30, s20, $0xb8;
	[tilespmem:$0x1E800] =	vst v63  }
0x4c: {  	_ =	swait.ge [sflag:s18], $0x4000  }
0x4d: {  	[sflag:s18] =	ssyncset.done $0x0  }
0x4e: {  	s30 =	sadd.s32 $0x100, s29;
	[sflag:s18] =	ssyncadd.s32 $0xFFFFC000  }
0x4f: {  	[tilespmem:s17], [sflag:$0x1] =	stream.indirect.gather [hbm4b:s4+s20], $0x80, s30, s20, $0xb8;
	[tilespmem:$0x1E800] =	vst v63  }
0x50: {  	_ =	swait.ge [sflag:s23], $0x4000  }
0x51: {  	[sflag:s23] =	ssyncset.done $0x0  }
.Ltmp0:
0x52: {  	s30 =	sadd.s32 $0x1480, s29;
	[sflag:s23] =	ssyncadd.s32 $0xFFFFC000;
	(pc) =	sbr.rel @p0 .LBB2_2-.Ltmp0, $4  }
0x53: {  	[spmem:s1] =	stream.indirect.scatter.add.f32 [tilespmem:s21], [sflag:$0x3], $0x80, s30, s20, $0xb8;
	[tilespmem:$0x1E800] =	vst v63  }
0x54: {  	_ =	swait.ge [sflag:s18], $0x4000  }
0x55: {  	[sflag:s18] =	ssyncset.done $0x0  }
0x56: {  	s29 =	sadd.s32 $0x180, s29;
	[sflag:s18] =	ssyncadd.s32 $0xFFFFC000  }
0x57: {  	[tilespmem:s21], [sflag:$0x2] =	stream.indirect.gather [hbm4b:s4+s20], $0x80, s29, s20, $0xb8;
	[tilespmem:$0x1E800] =	vst v63  }
0x58: {  	_ =	swait.ge [sflag:s22], $0x4000  }
0x59: {  	[sflag:s22] =	ssyncset.done $0x0  }
0x5a: {  	[sflag:s22] =	ssyncadd.s32 $0xFFFFC000  }
0x5b: {  	[spmem:s1] =	stream.indirect.scatter.add.f32 [tilespmem:s17], [sflag:$0x3], $0x80, s24, s20, $0xb8;
	[tilespmem:$0x1E800] =	vst v63  }
0x5c: {  	_ =	swait.ge [sflag:s18], $0x4000  }
0x5d: {  	[sflag:s18] =	ssyncset.done $0x0  }
0x5e: {  	[sflag:s18] =	ssyncadd.s32 $0xFFFFC000  }
0x5f: {  	_ =	swait.ge [sflag:s23], $0x4000  }
0x60: {  	[sflag:s23] =	ssyncset.done $0x0  }
0x61: {  	[sflag:s23] =	ssyncadd.s32 $0xFFFFC000  }
0x62: {  	[spmem:s1] =	stream.indirect.scatter.add.f32 [tilespmem:s21], [sflag:$0x3], $0x80, s25, s20, $0xb8;
	[tilespmem:$0x1E800] =	vst v63  }
0x63: {  	_ =	swait.ge [sflag:s18], $0x4000  }
0x64: {  	[sflag:s18] =	ssyncset.done $0x0  }
0x65: {  	s28 =	simm.s32 $0x0;
	[sflag:s18] =	ssyncadd.s32 $0xFFFFC000  }
0x66: {  	[tilespmem:s28], [sflag:$0x3] =	stream.linear.gather [hbm4b:s15+s28], $0x1400, $0x38;
	[tilespmem:$0x1E800] =	vst v63  }
0x67: {  	_ =	swait.ge [sflag:s18], $0x1400  }
0x68: {  	[sflag:s18] =	ssyncset.done $0x0  }
0x69: {  	[sflag:s18] =	ssyncadd.s32 $0xFFFFEC00  }
0x6a: {  	[tilespmem:s19], [sflag:$0x3] =	stream.linear.gather [hbm4b:s16+s28], $0x1400, $0x38;
	[tilespmem:$0x1E800] =	vst v63  }
0x6b: {  	_ =	swait.ge [sflag:s18], $0x1400  }
0x6c: {  	[sflag:s18] =	ssyncset.done $0x0  }
0x6d: {  	[sflag:s18] =	ssyncadd.s32 $0xFFFFEC00  }
0x6e: {  	[tilespmem:s17], [sflag:$0x1] =	stream.indirect.gather [hbm4b:s4+s20], $0x80, s28, s20, $0xb8;
	[tilespmem:$0x1E800] =	vst v63  }
0x6f: {  	_ = 	snop  }
0x70: {  	[tilespmem:s21], [sflag:$0x2] =	stream.indirect.gather [hbm4b:s4+s20], $0x80, s20, s20, $0xb8;
	[tilespmem:$0x1E800] =	vst v63  }
0x71: {  	_ =	swait.ge [sflag:s22], $0x4000  }
0x72: {  	[sflag:s22] =	ssyncset.done $0x0  }
0x73: {  	s28 =	simm.s32 $0x1400;
	[sflag:s22] =	ssyncadd.s32 $0xFFFFC000  }
0x74: {  	[spmem:s1] =	stream.indirect.scatter.add.f32 [tilespmem:s17], [sflag:$0x3], $0x80, s28, s20, $0xb8;
	[tilespmem:$0x1E800] =	vst v63  }
0x75: {  	_ =	swait.ge [sflag:s18], $0x4000  }
0x76: {  	[sflag:s18] =	ssyncset.done $0x0  }
0x77: {  	s28 =	simm.s32 $0x100;
	[sflag:s18] =	ssyncadd.s32 $0xFFFFC000  }
0x78: {  	[tilespmem:s17], [sflag:$0x1] =	stream.indirect.gather [hbm4b:s4+s20], $0x80, s28, s20, $0xb8;
	[tilespmem:$0x1E800] =	vst v63  }
0x79: {  	_ =	swait.ge [sflag:s23], $0x4000  }
0x7a: {  	[sflag:s23] =	ssyncset.done $0x0  }
0x7b: {  	s28 =	simm.s32 $0x1480;
	[sflag:s23] =	ssyncadd.s32 $0xFFFFC000  }
0x7c: {  	[spmem:s1] =	stream.indirect.scatter.add.f32 [tilespmem:s21], [sflag:$0x3], $0x80, s28, s20, $0xb8;
	[tilespmem:$0x1E800] =	vst v63  }
0x7d: {  	_ =	swait.ge [sflag:s18], $0x4000  }
0x7e: {  	[sflag:s18] =	ssyncset.done $0x0  }
0x7f: {  	s29 =	simm.s32 $0x180;
	s28 =	simm.s32 $0x400;
	[sflag:s18] =	ssyncadd.s32 $0xFFFFC000  }
.LBB2_4:
0x80: {  	[tilespmem:s21], [sflag:$0x2] =	stream.indirect.gather [hbm4b:s4+s20], $0x80, s29, s20, $0xb8;
	[tilespmem:$0x1E800] =	vst v63  }
0x81: {  	s29 =	smov.u32 s28  }
0x82: {  	p0 =	sne.s32 s28, $0x4800;
	s28 =	sadd.s32 $0x400, s28;
	_ =	swait.ge [sflag:s22], $0x4000  }
0x83: {  	s29 =	sshra.s32 s29, $0x2;
	[sflag:s22] =	ssyncset.done $0x0  }
0x84: {  	s30 =	sadd.s32 $0x1400, s29;
	[sflag:s22] =	ssyncadd.s32 $0xFFFFC000  }
0x85: {  	[spmem:s1] =	stream.indirect.scatter.add.f32 [tilespmem:s17], [sflag:$0x3], $0x80, s30, s20, $0xb8;
	[tilespmem:$0x1E800] =	vst v63  }
0x86: {  	_ =	swait.ge [sflag:s18], $0x4000  }
0x87: {  	[sflag:s18] =	ssyncset.done $0x0  }
0x88: {  	s30 =	sadd.s32 $0x100, s29;
	[sflag:s18] =	ssyncadd.s32 $0xFFFFC000  }
0x89: {  	[tilespmem:s17], [sflag:$0x1] =	stream.indirect.gather [hbm4b:s4+s20], $0x80, s30, s20, $0xb8;
	[tilespmem:$0x1E800] =	vst v63  }
0x8a: {  	_ =	swait.ge [sflag:s23], $0x4000  }
0x8b: {  	[sflag:s23] =	ssyncset.done $0x0  }
.Ltmp1:
0x8c: {  	s30 =	sadd.s32 $0x1480, s29;
	[sflag:s23] =	ssyncadd.s32 $0xFFFFC000;
	(pc) =	sbr.rel @p0 .LBB2_4-.Ltmp1, $4  }
0x8d: {  	[spmem:s1] =	stream.indirect.scatter.add.f32 [tilespmem:s21], [sflag:$0x3], $0x80, s30, s20, $0xb8;
	[tilespmem:$0x1E800] =	vst v63  }
0x8e: {  	_ =	swait.ge [sflag:s18], $0x4000  }
0x8f: {  	[sflag:s18] =	ssyncset.done $0x0  }
0x90: {  	s29 =	sadd.s32 $0x180, s29;
	[sflag:s18] =	ssyncadd.s32 $0xFFFFC000  }
0x91: {  	[tilespmem:s21], [sflag:$0x2] =	stream.indirect.gather [hbm4b:s4+s20], $0x80, s29, s20, $0xb8;
	[tilespmem:$0x1E800] =	vst v63  }
0x92: {  	_ =	swait.ge [sflag:s22], $0x4000  }
0x93: {  	[sflag:s22] =	ssyncset.done $0x0  }
0x94: {  	[sflag:s22] =	ssyncadd.s32 $0xFFFFC000  }
0x95: {  	[spmem:s1] =	stream.indirect.scatter.add.f32 [tilespmem:s17], [sflag:$0x3], $0x80, s24, s20, $0xb8;
	[tilespmem:$0x1E800] =	vst v63  }
0x96: {  	_ =	swait.ge [sflag:s18], $0x4000  }
0x97: {  	[sflag:s18] =	ssyncset.done $0x0  }
0x98: {  	[sflag:s18] =	ssyncadd.s32 $0xFFFFC000  }
0x99: {  	_ =	swait.ge [sflag:s23], $0x4000  }
0x9a: {  	[sflag:s23] =	ssyncset.done $0x0  }
0x9b: {  	[sflag:s23] =	ssyncadd.s32 $0xFFFFC000  }
0x9c: {  	[spmem:s1] =	stream.indirect.scatter.add.f32 [tilespmem:s21], [sflag:$0x3], $0x80, s25, s20, $0xb8;
	[tilespmem:$0x1E800] =	vst v63  }
0x9d: {  	_ =	swait.ge [sflag:s18], $0x4000  }
0x9e: {  	s28 =	sshll.u32 s2, $0x6;
	s26 =	sadd.s32 $0x1, s26;
	[sflag:s18] =	ssyncset.done $0x0  }
0x9f: {  	s31 =	sshrl.u32 s6, $0x3;
	p0 =	sne.s32 s26, s8;
	[sflag:s18] =	ssyncadd.s32 $0xFFFFC000  }
.Ltmp2:
0xa0: {  	s28 =	sor.u32 $0x1C03, s28;
	[bflag:$0x0] =	sbarrier.arrive $0xFFFF;
	(pc) =	sbr.rel @p0 .LBB2_1-.Ltmp2, $4  }
0xa1: {  	[hbm:s7], [sflag:s28] =	dma.local [spmem:s31], $0x2800  }
0xa2: {  	_ =	swait.ge [sflag:s18], $0x2800  }
0xa3: {  	[sflag:s18] =	ssyncset.done $0x0  }
0xa4: {  	[sflag:s18] =	ssyncadd.s32 $0xFFFFD800  }
0xa5: {  	_ =	sfence.sel $0x180000  }
0xa6: {  	[bflag:$0x0] =	sbarrier.arrive $0xFFFF  }
0xa7: {  	p0 =	sne.s32 s2, $0x0;
	_ =	strace $0x9000004D  }
0xa8: {  	s0 =	sadd.s32 @!p0 $0x100000, s0;
	[bflag:$0x2] =	sbarrier.arrive $0xFFFF  }
0xa9: {  	[sflag:s0] =	ssyncadd.tile.s32 @!p0 $0x1;
	_ =	shalt  }
.Lfunc_end2:
_tile_overlayer_lowered:
.L_overlay_start_2:
0xaa: {  	(tag) =	ssettag $0x2  }
0xab: {  	s0 =	rddreg [dreg:$0x0];
	s2 =	stileid.u32  }
0xac: {  	s1 =	rddreg [dreg:$0x1];
	p0 =	sne.s32 s2, $0x0  }
0xad: {  	s3 =	rddreg [dreg:$0x2];
	[bflag:$0x3] =	sbarrier.arrive $0xFFFF;
	s2 =	simm.s32 @!p0 $0x1C03  }
0xae: {  	[timem:s3], [sflag:s2] =	dma.local @!p0 [hbm:s0], s1  }
0xaf: {  	s0 =	simm.s32 @!p0 $0x3  }
0xb0: {  	_ =	swait.ge @!p0 [sflag:s0], s1  }
0xb1: {  	s1 =	ssub.s32 @!p0 $0x0, s1;
	[sflag:s0] =	ssyncset.done @!p0 $0x0  }
0xb2: {  	[sflag:s0] =	ssyncadd.s32 @!p0 s1  }
0xb3: {  	[bflag:$0x3] =	sbarrier.arrive $0xFFFF  }
0xb4: {  	_ =	shalt  }

// kernel: kernel.9.cloned.1.call-start
scs
__scs_entry_jumppad:
0x0: {  	(pc) =	sbr.rel $0x88, $3  }
0x1: {  	(tag) =	ssettag $0x0;
	lr =	simm.s32 $0x1  }
0x2: {  	[smem:$0x3F90] =	sst lr;
	_ =	strace $0xD0000000  }
0x3: {  	_ = 	snop  }
0x4: {  	_ = 	snop  }
0x5: {  	_ = 	snop  }
0x6: {  	_ = 	snop  }
0x7: {  	_ = 	snop  }
__scs_overlays_trampoline_lowered:
0x8: {  	[smem:$0x3F9F] =	sst s0  }
0x9: {  	[smem:$0x3FA0] =	sst s1  }
0xa: {  	[smem:$0x3FA1] =	sst s2  }
0xb: {  	[smem:$0x3FA2] =	sst s3  }
0xc: {  	[smem:$0x3FA3] =	sst s4  }
0xd: {  	[smem:$0x3FA4] =	sst s5  }
0xe: {  	[smem:$0x3FA5] =	sst s6  }
0xf: {  	[smem:$0x3FA6] =	sst s7  }
0x10: {  	[smem:$0x3FA7] =	sst s8  }
0x11: {  	[smem:$0x3FA8] =	sst s9;
	s0 =	simm.s32 @!p0 $0x0  }
0x12: {  	s1 =	sld [smem:$0x3F8E];
	s0 =	simm.s32 @p0 $0x1  }
0x13: {  	[smem:$0x3FA9] =	sst s0;
	s0 =	simm.s32 @!p1 $0x0  }
0x14: {  	s2 =	sld [smem:$0x3F8D];
	s0 =	simm.s32 @p1 $0x1  }
0x15: {  	[smem:$0x3FAA] =	sst s0;
	s0 =	simm.s32 @!p2 $0x0  }
0x16: {  	s3 =	sld [smem:$0x3FDB];
	s0 =	simm.s32 @p2 $0x1  }
0x17: {  	s4 =	simm.s32 $0x1BF5;
	[smem:$0x3FAC] =	sst s0  }
0x18: {  	s0 =	sld [smem:$0x3F8F];
	_ =	swait.ge [sflag:s4], $0x0  }
0x19: {  	s7 =	sld [smem:$0x3F90]  }
0x1a: {  	s8 =	sadd.s32 $0xFFFFE003, lr  }
0x1b: {  	s9 =	sadd.s32 $0xFFFFFEF7, lr;
	s5 =	simm.s32 $0xFFFFFFFF;
	p2 =	slt.u32 s8, $0xFFFFF086  }
0x1c: {  	p1 =	slt.u32 s9, $0xF7A;
	s5 =	simm.s32 @!p2 $0x0  }
0x1d: {  	s5 =	simm.s32 @p1 $0x1;
	p0 =	seq.s32 s7, s2  }
0x1e: {  	s7 =	smul.u32 @!p0 $0xF7A, s2;
	p2 =	seq.s32 @!p0 s5, $0x0  }
0x1f: {  	s9 =	smul.u32 $0xF7A, s1;
	s8 =	simm.s32 @!p0 $0x1BF5;
	p2 =	por !p2, p0  }
0x20: {  	[sflag:s8] =	ssyncset.s32 @!p0 $0xFFFFF086;
	s6 =	sadd.s32 @!p0 s3, s7;
	s7 =	simm.s32 @!p0 $0x108  }
0x21: {  	s3 =	sadd.s32 s3, s9;
	s6 =	sadd.s32 @!p0 $0x88, s6;
	s7 =	simm.s32 @p2 $0x1082  }
0x22: {  	[simem:s7], [sflag:s8] =	dma.local @!p0 [hbm:s6], $0xF7A  }
0x23: {  	s9 =	sor.u32 $0xD0000000, s2;
	s6 =	simm.s32 $0x108;
	_ =	swait.ge @!p0 [sflag:s8], $0x0  }
0x24: {  	s3 =	sadd.s32 $0x88, s3;
	s6 =	simm.s32 @!p1 $0x1082;
	[sflag:s4] =	ssyncset.s32 $0xFFFFF086  }
0x25: {  	[simem:s6], [sflag:s4] =	dma.local [hbm:s3], $0xF7A  }
0x26: {  	[smem:$0x3F90] =	sst s1;
	(tag) =	ssettag s2;
	_ =	strace s9  }
0x27: {  	s1 =	sld [smem:$0x3FA0]  }
0x28: {  	s2 =	sld [smem:$0x3FA1]  }
0x29: {  	s4 =	sld [smem:$0x3FA3]  }
0x2a: {  	p0 =	seq.s32 s5, $0x0;
	s5 =	sld [smem:$0x3FA4]  }
0x2b: {  	s6 =	sld [smem:$0x3FA5]  }
0x2c: {  	s7 =	sld [smem:$0x3FA6]  }
0x2d: {  	s3 =	simm.s32 $0x108;
	s8 =	sld [smem:$0x3FA7]  }
0x2e: {  	s3 =	simm.s32 @!p0 $0x1082;
	s9 =	sld [smem:$0x3FA8]  }
0x2f: {  	lr =	sadd.s32 s0, s3;
	s0 =	sld [smem:$0x3F9F]  }
0x30: {  	s3 =	sld [smem:$0x3FA2]  }
0x31: {  	[smem:$0x3FAB] =	sst s10  }
0x32: {  	s10 =	sld [smem:$0x3FA9];
	_ =	sdelay $0x3  }
0x33: {  	p0 =	seq.s32 s10, $0x1;
	s10 =	sld [smem:$0x3FAB];
	_ =	sdelay $0x3  }
0x34: {  	[smem:$0x3FAB] =	sst s10  }
0x35: {  	s10 =	sld [smem:$0x3FAA];
	_ =	sdelay $0x3  }
0x36: {  	p1 =	seq.s32 s10, $0x1;
	s10 =	sld [smem:$0x3FAB];
	_ =	sdelay $0x3  }
0x37: {  	[smem:$0x3FAB] =	sst s10  }
0x38: {  	s10 =	sld [smem:$0x3FAC]  }
0x39: {  	_ = 	snop;
	(pc) =	sbr.ind lr, $3  }
0x3a: {  	_ = 	snop  }
0x3b: {  	_ = 	snop  }
0x3c: {  	p2 =	seq.s32 s10, $0x1;
	s10 =	sld [smem:$0x3FAB]  }
0x3d: {  	_ =	shalt  }
0x3e: {  	_ =	shalt  }
0x3f: {  	_ =	shalt  }
0x40: {  	_ =	shalt  }
0x41: {  	_ =	shalt  }
0x42: {  	_ =	shalt  }
0x43: {  	_ =	shalt  }
0x44: {  	_ =	shalt  }
0x45: {  	_ =	shalt  }
0x46: {  	_ =	shalt  }
0x47: {  	_ =	shalt  }
0x48: {  	_ =	shalt  }
0x49: {  	_ =	shalt  }
0x4a: {  	_ =	shalt  }
0x4b: {  	_ =	shalt  }
0x4c: {  	_ =	shalt  }
0x4d: {  	_ =	shalt  }
0x4e: {  	_ =	shalt  }
0x4f: {  	_ =	shalt  }
0x50: {  	_ =	shalt  }
0x51: {  	_ =	shalt  }
0x52: {  	_ =	shalt  }
0x53: {  	_ =	shalt  }
0x54: {  	_ =	shalt  }
0x55: {  	_ =	shalt  }
0x56: {  	_ =	shalt  }
0x57: {  	_ =	shalt  }
0x58: {  	_ =	shalt  }
0x59: {  	_ =	shalt  }
0x5a: {  	_ =	shalt  }
0x5b: {  	_ =	shalt  }
0x5c: {  	_ =	shalt  }
0x5d: {  	_ =	shalt  }
0x5e: {  	_ =	shalt  }
0x5f: {  	_ =	shalt  }
0x60: {  	_ =	shalt  }
0x61: {  	_ =	shalt  }
0x62: {  	_ =	shalt  }
0x63: {  	_ =	shalt  }
0x64: {  	_ =	shalt  }
0x65: {  	_ =	shalt  }
0x66: {  	_ =	shalt  }
0x67: {  	_ =	shalt  }
0x68: {  	_ =	shalt  }
0x69: {  	_ =	shalt  }
0x6a: {  	_ =	shalt  }
0x6b: {  	_ =	shalt  }
0x6c: {  	_ =	shalt  }
0x6d: {  	_ =	shalt  }
0x6e: {  	_ =	shalt  }
0x6f: {  	_ =	shalt  }
0x70: {  	_ =	shalt  }
0x71: {  	_ =	shalt  }
0x72: {  	_ =	shalt  }
0x73: {  	_ =	shalt  }
0x74: {  	_ =	shalt  }
0x75: {  	_ =	shalt  }
0x76: {  	_ =	shalt  }
0x77: {  	_ =	shalt  }
0x78: {  	_ =	shalt  }
0x79: {  	_ =	shalt  }
0x7a: {  	_ =	shalt  }
0x7b: {  	_ =	shalt  }
0x7c: {  	_ =	shalt  }
0x7d: {  	_ =	shalt  }
0x7e: {  	_ =	shalt  }
0x7f: {  	_ =	shalt  }
0x80: {  	_ =	shalt  }
0x81: {  	_ =	shalt  }
0x82: {  	_ =	shalt  }
0x83: {  	_ =	shalt  }
0x84: {  	_ =	shalt  }
0x85: {  	_ =	shalt  }
0x86: {  	_ =	shalt  }
0x87: {  	_ =	shalt  }
.Lfunc_end0:
.L_simem_size_0:
called_computation_lowered:
.L_overlay_start_0:
0x88: {  	s2 =	sld [smem:$0x3FD9]  }
0x89: {  	s3 =	sld [smem:$0x3FFE];
	_ =	sdelay $0x1  }
0x8a: {  	s1 =	srdreg.scid  }
0x8b: {  	s0 =	sand.u32 $0x1, s1  }
0x8c: {  	s16 =	sshll.u32 s0, $0xA;
	s2 =	sadd.s32 s3, s2  }
0x8d: {  	s2 =	sadd.s32 s2, s16  }
0x8e: {  	[smem:$0x3FB7] =	sst s2  }
0x8f: {  	_ = 	snop  }
0x90: {  	(tm) =	ssettm $0x1  }
0x91: {  	s17 =	sld [smem:$0x3FFB];
	_ =	sdelay $0x3  }
0x92: {  	_ =	strace s17  }
0x93: {  	s2 =	sld [smem:$0x3FFC];
	_ =	sdelay $0x3  }
0x94: {  	_ =	strace s2  }
0x95: {  	s2 =	sld [smem:$0x3FFD];
	_ =	sdelay $0x3  }
0x96: {  	_ =	strace s2  }
0x97: {  	_ =	strace $0x8FFFFFFF  }
0x98: {  	s18 =	sld [smem:$0x3FDB];
	_ =	sdelay $0x1  }
0x99: {  	s19 =	simm.s32 $_scs_section_size  }
0x9a: {  	s4 =	simm.s32 $_size__tile_overlayer_lowered;
	s5 =	simm.s32 $_tile_overlayer_lowered  }
0x9b: {  	s22 =	simm.s32 $0x1BFF;
	s21 =	sshll.u32 s5, $0x1;
	s2 =	sadd.s32 s19, s18  }
0x9c: {  	s6 =	simm.s32 $0x0;
	s20 =	sshll.u32 s4, $0x1;
	s4 =	sadd.s32 s21, s2  }
0x9d: {  	[timem:s6], [sflag:s22] =	dma.local [hbm:s4], s20  }
0x9e: {  	_ =	swait.ge [sflag:s22], s20  }
0x9f: {  	s3 =	ssub.s32 $0x0, s20;
	[sflag:s22] =	ssyncset.done $0x0  }
0xa0: {  	[sflag:s22] =	ssyncadd.s32 s3;
	_ =	sdelay $0x1  }
0xa1: {  	s23 =	simm.s32 $0x1B8B  }
0xa2: {  	_ =	swait.ge [sflag:s23], $0x1  }
0xa3: {  	[sflag:s23] =	ssyncset.done $0x0  }
0xa4: {  	s25 =	simm.s32 $0x1B8E;
	s24 =	sld [smem:$0x3FFE];
	[sflag:s23] =	ssyncadd.s32 $0xFFFFFFFF  }
0xa5: {  	s26 =	simm.s32 $execute0_lowered;
	[smem:$0x3FD2] =	sst s25  }
0xa6: {  	s4 =	sshll.u32 s26, $0x1;
	_ =	strace $0x80000046;
	[dreg:$0x1] =	wrdreg $0xFFFFFFFF  }
0xa7: {  	s28 =	simm.s32 $_size_execute0_lowered;
	s2 =	sadd.s32 s2, s4;
	[dreg:$0x0] =	wrdreg $0x0  }
0xa8: {  	s4 =	sshll.u32 s28, $0x1;
	[dreg:$0x2] =	wrdreg s2  }
0xa9: {  	[dreg:$0x3] =	wrdreg s4  }
0xaa: {  	[dreg:$0x4] =	wrdreg $0xC0  }
0xab: {  	_ =	task [dreg:s6], $0x5FFFF  }
0xac: {  	[dreg:$0x1] =	wrdreg $0xFFFFFFFF  }
0xad: {  	[dreg:$0x0] =	wrdreg $0x60  }
0xae: {  	[dreg:$0x2] =	wrdreg s24  }
0xaf: {  	[dreg:$0x3] =	wrdreg $0xA9000  }
0xb0: {  	[dreg:$0x4] =	wrdreg $0x9  }
0xb1: {  	_ =	task.clear_ibuf [dreg:s6], $0x5FFFF;
	_ =	strace $0x90000046  }
0xb2: {  	s29 =	simm.s32 $0x9;
	_ =	strace $0x80000048  }
0xb3: {  	_ =	swait.ge [sflag:s29], $0x1  }
0xb4: {  	[sflag:s29] =	ssyncadd.s32 $0xFFFFFFFF  }
0xb5: {  	_ =	strace $0x90000048  }
0xb6: {  	_ =	sfence  }
0xb7: {  	s30 =	sld [smem:$0x0];
	_ =	sdelay $0x2  }
0xb8: {  	s31 =	sshll.u32 s1, $0xD;
	s1 =	sshrl.u32 s1, $0x2  }
0xb9: {  	s3 =	sand.u32 $0x4000, s31;
	s1 =	sadd.s32 s1, s30  }
0xba: {  	s0 =	sor.u32 s3, s0;
	s1 =	sshll.u32 s1, $0x11  }
0xbb: {  	s0 =	sor.u32 s1, s0  }
0xbc: {  	s0 =	sadd.s32 $0x8F2B, s0  }
0xbd: {  	[sflag:s0] =	ssyncadd.remote.s32 $0x1  }
0xbe: {  	_ =	sfence.sel $0xFFFF  }
0xbf: {  	[dreg:$0x0] =	wrdreg $0xFFFFFFFF;
	(pc) =	sbr.abs _section_cstart, $3  }
0xc0: {  	[dreg:$0x1] =	wrdreg $0xFFFFFFFF  }
0xc1: {  	_ =	task.clear_ibuf [dreg:s6], $0x2FFFF;
	_ =	strace $0x9FFFFFFF  }
0xc2: {  	(tm) =	ssettm $0x7FFFFFFF  }
0xc3: {  	_ =	shalt  }
tec
execute0_lowered:
.L_overlay_start_1:
0x0: {  	(tag) =	ssettag $0x1  }
0x1: {  	s0 =	srdreg.scid;
	s6 =	rddreg [dreg:$0x0]  }
0x2: {  	s2 =	rddreg [dreg:$0x1];
	s3 =	simm.s32 $0x0;
	s17 =	simm.s32 $0x1  }
0x3: {  	s18 =	simm.s32 $0x2800;
	s19 =	simm.s32 $0x6900;
	s20 =	simm.s32 $0x2900  }
0x4: {  	s21 =	simm.s32 $0x80;
	s22 =	simm.s32 $0x2880;
	s5 =	sand.u32 $0x1, s0  }
0x5: {  	s25 =	simm.s32 $0x0;
	s0 =	stileid.u32;
	s8 =	smul.u32 $0x140000, s5  }
0x6: {  	[smem:$0x7FF] =	sst s3;
	s1 =	sshll.u32 s5, $0x4;
	s11 =	smul.u32 $0x14000, s0  }
0x7: {  	s29 =	ssub.s32 $0x2, s5;
	s30 =	smul.u32 $0x50000, s0;
	s5 =	sadd.s32 $0x38200, s6  }
0x8: {  	s23 =	sshll.u32 s0, $0x6;
	s4 =	sor.u32 s0, s1;
	s1 =	rddreg [dreg:$0x2]  }
0x9: {  	_ =	strace $0x80000047;
	s12 =	sshrl.u32 s29, $0x1;
	s23 =	sor.u32 $0x1C01, s23  }
0xa: {  	s7 =	smul.u32 $0x500, s4;
	s9 =	sshll.u32 s4, $0x5;
	s10 =	sshll.u32 s4, $0xC  }
0xb: {  	s4 =	sadd.s32 $0x37A00, s6;
	s8 =	sadd.s32 s11, s8;
	s12 =	ssub.s32 s29, s12  }
0xc: {  	s31 =	sshrl.u32 s30, $0x2;
	s9 =	sadd.s32 s9, s6;
	s16 =	sadd.s32 s10, s6  }
0xd: {  	s8 =	sshrl.u32 s8, $0x3;
	s11 =	smax.u32 s12, $0x1;
	s7 =	sadd.s32 s7, s6  }
0xe: {  	s13 =	sadd.s32 s8, s6;
	s8 =	sadd.s32 s31, s2;
	s6 =	sadd.s32 $0x23A00, s7  }
0xf: {  	s7 =	sadd.s32 $0x3600, s9;
	s9 =	sadd.s32 $0x3A00, s16;
	s10 =	sadd.s32 $0x38A00, s13  }
0x10: {  	s12 =	sadd.s32 $0x4000, s8;
	s13 =	sadd.s32 $0x8000, s8;
	s14 =	sadd.s32 $0xC000, s8  }
0x11: {  	s15 =	sadd.s32 $0x10000, s8;
	s16 =	sadd.s32 $0x4200, s16;
	s24 =	sshrl.u32 s8, $0x3  }
.LBB2_1:
0x12: {  	[tilespmem:s3], [sflag:$0x1] =	stream.linear.gather [hbm4b:s6+s3], $0x2800, $0x38;
	[tilespmem:$0x1E900] =	vst v63  }
0x13: {  	_ =	swait.ge [sflag:s17], $0x2800  }
0x14: {  	[sflag:s17] =	ssyncset.done $0x0  }
0x15: {  	[sflag:s17] =	ssyncadd.s32 $0xFFFFD800  }
0x16: {  	[tilespmem:s18], [sflag:$0x1] =	stream.linear.gather [hbm4b:s7+s3], $0x100, $0x38;
	[tilespmem:$0x1E900] =	vst v63  }
0x17: {  	_ =	swait.ge [sflag:s17], $0x100  }
0x18: {  	[sflag:s17] =	ssyncset.done $0x0  }
0x19: {  	[sflag:s17] =	ssyncadd.s32 $0xFFFFFF00  }
0x1a: {  	[tilespmem:s19], [sflag:$0x1] =	stream.linear.gather [hbm4b:s5+s3], $0x4000, $0x38;
	[tilespmem:$0x1E900] =	vst v63  }
0x1b: {  	_ =	swait.ge [sflag:s17], $0x4000  }
0x1c: {  	[sflag:s17] =	ssyncset.done $0x0  }
0x1d: {  	[sflag:s17] =	ssyncadd.s32 $0xFFFFC000  }
0x1e: {  	[spmem:s8] =	stream.linear.scatter [tilespmem:s19], [sflag:$0x1], $0x4000, $0x38;
	[tilespmem:$0x1E900] =	vst v63  }
0x1f: {  	_ =	swait.ge [sflag:s17], $0x4000  }
0x20: {  	[sflag:s17] =	ssyncset.done $0x0  }
0x21: {  	[sflag:s17] =	ssyncadd.s32 $0xFFFFC000  }
0x22: {  	[spmem:s12] =	stream.linear.scatter [tilespmem:s19], [sflag:$0x1], $0x4000, $0x38;
	[tilespmem:$0x1E900] =	vst v63  }
0x23: {  	_ =	swait.ge [sflag:s17], $0x4000  }
0x24: {  	[sflag:s17] =	ssyncset.done $0x0  }
0x25: {  	[sflag:s17] =	ssyncadd.s32 $0xFFFFC000  }
0x26: {  	[spmem:s13] =	stream.linear.scatter [tilespmem:s19], [sflag:$0x1], $0x4000, $0x38;
	[tilespmem:$0x1E900] =	vst v63  }
0x27: {  	_ =	swait.ge [sflag:s17], $0x4000  }
0x28: {  	[sflag:s17] =	ssyncset.done $0x0  }
0x29: {  	[sflag:s17] =	ssyncadd.s32 $0xFFFFC000  }
0x2a: {  	[spmem:s14] =	stream.linear.scatter [tilespmem:s19], [sflag:$0x1], $0x4000, $0x38;
	[tilespmem:$0x1E900] =	vst v63  }
0x2b: {  	_ =	swait.ge [sflag:s17], $0x4000  }
0x2c: {  	[sflag:s17] =	ssyncset.done $0x0  }
0x2d: {  	[sflag:s17] =	ssyncadd.s32 $0xFFFFC000  }
0x2e: {  	[spmem:s15] =	stream.linear.scatter [tilespmem:s19], [sflag:$0x1], $0x4000, $0x38;
	[tilespmem:$0x1E900] =	vst v63  }
0x2f: {  	_ =	swait.ge [sflag:s17], $0x4000  }
0x30: {  	[sflag:s17] =	ssyncset.done $0x0  }
0x31: {  	[sflag:s17] =	ssyncadd.s32 $0xFFFFC000  }
0x32: {  	[tilespmem:s20], [sflag:$0x1] =	stream.linear.gather [hbm4b:s4+s3], $0x4000, $0x38;
	[tilespmem:$0x1E900] =	vst v63  }
0x33: {  	_ =	swait.ge [sflag:s17], $0x4000  }
0x34: {  	[sflag:s17] =	ssyncset.done $0x0  }
0x35: {  	[sflag:s17] =	ssyncadd.s32 $0xFFFFC000  }
0x36: {  	s26 =	simm.s32 $0x0;
	[bflag:$0x0] =	sbarrier.arrive $0xFFFF  }
0x37: {  	[spmem:s2] =	stream.indirect.scatter.add.f32 [tilespmem:s20], [sflag:$0x1], $0x80, s26, s21, $0xb8;
	[tilespmem:$0x1E900] =	vst v63  }
0x38: {  	_ =	swait.ge [sflag:s17], $0x4000  }
0x39: {  	s26 =	simm.s32 $0x200;
	[sflag:s17] =	ssyncset.done $0x0  }
.LBB2_2:
0x3a: {  	s28 =	sshra.s32 s26, $0x2;
	[sflag:s17] =	ssyncadd.s32 $0xFFFFC000;
	p0 =	sne.s32 s26, $0x9E00  }
0x3b: {  	[spmem:s2] =	stream.indirect.scatter.add.f32 [tilespmem:s20], [sflag:$0x1], $0x80, s28, s21, $0xb8;
	[tilespmem:$0x1E900] =	vst v63  }
.Ltmp0:
0x3c: {  	_ = 	snop;
	(pc) =	sbr.rel @p0 .LBB2_2-.Ltmp0, $4  }
0x3d: {  	_ = 	snop  }
0x3e: {  	s26 =	sadd.s32 $0x200, s26  }
0x3f: {  	_ =	swait.ge [sflag:s17], $0x4000  }
0x40: {  	[sflag:s17] =	ssyncset.done $0x0  }
0x41: {  	[sflag:s17] =	ssyncadd.s32 $0xFFFFC000  }
0x42: {  	[tilespmem:s20], [sflag:$0x1] =	stream.linear.gather [hbm4b:s9+s3], $0x4000, $0x38;
	[tilespmem:$0x1E900] =	vst v63  }
0x43: {  	_ =	swait.ge [sflag:s17], $0x4000  }
0x44: {  	[sflag:s17] =	ssyncset.done $0x0  }
0x45: {  	[sflag:s17] =	ssyncadd.s32 $0xFFFFC000  }
0x46: {  	[spmem:s2] =	stream.indirect.scatter.add.f32 [tilespmem:s20], [sflag:$0x1], $0x80, s18, s21, $0xb8;
	[tilespmem:$0x1E900] =	vst v63  }
0x47: {  	_ =	swait.ge [sflag:s17], $0x4000  }
0x48: {  	[sflag:s17] =	ssyncset.done $0x0  }
0x49: {  	[sflag:s17] =	ssyncadd.s32 $0xFFFFC000  }
0x4a: {  	[tilespmem:s20], [sflag:$0x1] =	stream.linear.gather [hbm4b:s16+s3], $0x4000, $0x38;
	[tilespmem:$0x1E900] =	vst v63  }
0x4b: {  	_ =	swait.ge [sflag:s17], $0x4000  }
0x4c: {  	[sflag:s17] =	ssyncset.done $0x0  }
0x4d: {  	[sflag:s17] =	ssyncadd.s32 $0xFFFFC000  }
0x4e: {  	[spmem:s2] =	stream.indirect.scatter.add.f32 [tilespmem:s20], [sflag:$0x1], $0x80, s22, s21, $0xb8;
	[tilespmem:$0x1E900] =	vst v63  }
0x4f: {  	_ =	swait.ge [sflag:s17], $0x4000  }
0x50: {  	s25 =	sadd.s32 $0x1, s25;
	[sflag:s17] =	ssyncset.done $0x0  }
0x51: {  	p0 =	sne.s32 s25, s11;
	[sflag:s17] =	ssyncadd.s32 $0xFFFFC000  }
.Ltmp1:
0x52: {  	[bflag:$0x0] =	sbarrier.arrive $0xFFFF;
	(pc) =	sbr.rel @p0 .LBB2_1-.Ltmp1, $4  }
0x53: {  	[hbm:s10], [sflag:s23] =	dma.local [spmem:s24], $0x2800  }
0x54: {  	_ =	swait.ge [sflag:s17], $0x2800  }
0x55: {  	[sflag:s17] =	ssyncset.done $0x0  }
0x56: {  	[sflag:s17] =	ssyncadd.s32 $0xFFFFD800  }
0x57: {  	_ =	sfence.sel $0x180000  }
0x58: {  	[bflag:$0x0] =	sbarrier.arrive $0xFFFF  }
0x59: {  	p0 =	sne.s32 s0, $0x0;
	_ =	strace $0x90000047  }
0x5a: {  	s0 =	sadd.s32 @!p0 $0x100000, s1;
	[bflag:$0x2] =	sbarrier.arrive $0xFFFF  }
0x5b: {  	[sflag:s0] =	ssyncadd.tile.s32 @!p0 $0x1;
	_ =	shalt  }
.Lfunc_end2:
_tile_overlayer_lowered:
.L_overlay_start_2:
0x5c: {  	(tag) =	ssettag $0x2  }
0x5d: {  	s0 =	rddreg [dreg:$0x0];
	s2 =	stileid.u32  }
0x5e: {  	s1 =	rddreg [dreg:$0x1];
	p0 =	sne.s32 s2, $0x0  }
0x5f: {  	s3 =	rddreg [dreg:$0x2];
	[bflag:$0x3] =	sbarrier.arrive $0xFFFF;
	s2 =	simm.s32 @!p0 $0x1C01  }
0x60: {  	[timem:s3], [sflag:s2] =	dma.local @!p0 [hbm:s0], s1  }
0x61: {  	s0 =	simm.s32 @!p0 $0x1  }
0x62: {  	_ =	swait.ge @!p0 [sflag:s0], s1  }
0x63: {  	s1 =	ssub.s32 @!p0 $0x0, s1;
	[sflag:s0] =	ssyncset.done @!p0 $0x0  }
0x64: {  	[sflag:s0] =	ssyncadd.s32 @!p0 s1  }
0x65: {  	[bflag:$0x3] =	sbarrier.arrive $0xFFFF  }
0x66: {  	_ =	shalt  }

</sc_bundles>
